<compile_context>
chip_gen: v7x
topology: tpu7x:2x2x1
jax: 0.10.2.dev20260603
libtpu: 0.0.44.dev20260713+nightly
codegen_flags: <defaults>
</compile_context>

<pallas_src>
import jax
import jax.numpy as jnp
from jax.experimental import pallas as pl
from jax.experimental.pallas import tpu as pltpu

_K = 16
_ALPHA = 3.0


def _nv_kernel(x1_ref, x2_ref, w1t_ref, b1_ref, w2t_ref, b2_ref,
               nv1_ref, nv2_ref):
    nv1_ref[...] = jnp.tanh(
        _ALPHA * (jnp.dot(x1_ref[...], w1t_ref[...],
                          preferred_element_type=jnp.float32) + b1_ref[...]))
    nv2_ref[...] = jnp.tanh(
        _ALPHA * (jnp.dot(x2_ref[...], w2t_ref[...],
                          preferred_element_type=jnp.float32) + b2_ref[...]))


def _noise_at(p):
    u32 = jnp.uint32
    ks0 = u32(0)
    ks1 = u32(1)
    ks2 = u32(0x1BD11BDB)
    ks = (ks0, ks1, ks2)
    x0 = jnp.zeros_like(p, dtype=u32) + ks0
    x1 = p.astype(u32) + ks1

    def rotl(v, d):
        return jnp.left_shift(v, u32(d)) | jnp.right_shift(v, u32(32 - d))

    rot_groups = ((13, 15, 26, 6), (17, 29, 16, 24))
    for g in range(5):
        for r in rot_groups[g % 2]:
            x0 = x0 + x1
            x1 = rotl(x1, r)
            x1 = x0 ^ x1
        x0 = x0 + ks[(g + 1) % 3]
        x1 = x1 + ks[(g + 2) % 3] + u32(g + 1)
    bits = x0 ^ x1
    f = jax.lax.bitcast_convert_type(
        jnp.right_shift(bits, u32(9)) | u32(0x3F800000), jnp.float32)
    return (f - 1.0) * 0.01


def _main_kernel(n, rb, nv1b_ref, nv2b_ref, nv1_ref, nv2_ref,
                 adj_ref, v_ref, ew_ref):
    i = pl.program_id(0)
    dn = (((1,), (1,)), ((), ()))
    col = jax.lax.broadcasted_iota(jnp.int32, (rb, n), 1)
    row = i * rb + jax.lax.broadcasted_iota(jnp.int32, (rb, 1), 0)

    a = (jax.lax.dot_general(nv1b_ref[...], nv2_ref[...], dn,
                             preferred_element_type=jnp.float32)
         - jax.lax.dot_general(nv2b_ref[...], nv1_ref[...], dn,
                               preferred_element_type=jnp.float32))
    adj = jax.nn.relu(jnp.tanh(_ALPHA * a))
    t = adj + _noise_at(row * n + col)

    neg_inf = jnp.float32(-jnp.inf)
    idx_cols = []
    m_cols = []
    for _ in range(_K):
        m = jnp.max(t, axis=1, keepdims=True)
        idxk = jnp.min(jnp.where(t == m, col, n), axis=1,
                       keepdims=True).astype(jnp.int32)
        t = jnp.where(col == idxk, neg_inf, t)
        idx_cols.append(idxk)
        m_cols.append(m)
    idx = jnp.concatenate(idx_cols, axis=1)
    m = jnp.concatenate(m_cols, axis=1)
    keep = t == neg_inf

    eye = (col == row).astype(jnp.float32)
    adj_ref[...] = jnp.where(keep, adj, 0.0) + eye
    w = m - _noise_at(row * n + idx) + (idx == row).astype(jnp.float32)
    v_ref[...] = jnp.concatenate([idx, row], axis=1)
    ew_ref[...] = jnp.concatenate(
        [w, jnp.ones((rb, 1), dtype=jnp.float32)], axis=1)


def _row_block(n):
    for rb in (80, 64, 48, 40, 32, 24, 16, 8):
        if n % rb == 0:
            return rb
    return 1


def kernel(idx, node_emb1, node_emb2, emb1_w, emb2_w, lin1_w, lin1_b,
           lin2_w, lin2_b):
    n = idx.shape[0]
    dim = emb1_w.shape[1]
    x1 = jnp.take(emb1_w, idx, axis=0)
    x2 = jnp.take(emb2_w, idx, axis=0)

    nv1, nv2 = pl.pallas_call(
        _nv_kernel,
        out_shape=(jax.ShapeDtypeStruct((n, dim), jnp.float32),
                   jax.ShapeDtypeStruct((n, dim), jnp.float32)),
    )(x1, x2, lin1_w.T, lin1_b[None, :], lin2_w.T, lin2_b[None, :])

    rb = _row_block(n)
    grid = n // rb
    adj, v, ew = pl.pallas_call(
        lambda *refs: _main_kernel(n, rb, *refs),
        grid=(grid,),
        in_specs=[
            pl.BlockSpec((rb, dim), lambda i: (i, 0)),
            pl.BlockSpec((rb, dim), lambda i: (i, 0)),
            pl.BlockSpec((n, dim), lambda i: (0, 0)),
            pl.BlockSpec((n, dim), lambda i: (0, 0)),
        ],
        out_specs=[
            pl.BlockSpec((rb, n), lambda i: (i, 0)),
            pl.BlockSpec((rb, _K + 1), lambda i: (i, 0)),
            pl.BlockSpec((rb, _K + 1), lambda i: (i, 0)),
        ],
        out_shape=(jax.ShapeDtypeStruct((n, n), jnp.float32),
                   jax.ShapeDtypeStruct((n, _K + 1), jnp.int32),
                   jax.ShapeDtypeStruct((n, _K + 1), jnp.float32)),
    )(nv1, nv2, nv1, nv2)

    u = jnp.repeat(jnp.arange(n, dtype=jnp.int32), _K + 1)
    return adj, ew.reshape(-1), u, v.reshape(-1)

# --- scband reference (transcript-rebuilt; emitter-appended) ---
"""Pipeline reference for scband-graph-constructor-89275190215363 (READ-ONLY COPY).

The authoritative reference and input builder live on the scoring server;
editing this copy changes nothing except your own understanding.
"""

import jax, jax.numpy as jnp
import numpy as np

N = 10000
DIM = 128
K = 16
ALPHA = 3.0


def setup_inputs(seed: int = 0) -> dict:
    key = jax.random.key(seed)
    ks = jax.random.split(key, 10)
    idx = jnp.arange(N, dtype=jnp.int32)
    node_emb1 = jax.random.normal(ks[0], (N, DIM), dtype=jnp.float32)
    node_emb2 = jax.random.normal(ks[1], (N, DIM), dtype=jnp.float32)
    # learned parameters: emb1/emb2 tables (nn.Embedding default init ~ N(0,1)) and lin1/lin2
    emb1_w = jax.random.normal(ks[2], (N, DIM), dtype=jnp.float32)
    emb2_w = jax.random.normal(ks[3], (N, DIM), dtype=jnp.float32)
    lim = 1.0 / np.sqrt(DIM)
    lin1_w = jax.random.uniform(ks[4], (DIM, DIM), minval=-lim, maxval=lim, dtype=jnp.float32)
    lin1_b = jax.random.uniform(ks[5], (DIM,), minval=-lim, maxval=lim, dtype=jnp.float32)
    lin2_w = jax.random.uniform(ks[6], (DIM, DIM), minval=-lim, maxval=lim, dtype=jnp.float32)
    lin2_b = jax.random.uniform(ks[7], (DIM,), minval=-lim, maxval=lim, dtype=jnp.float32)
    return {
        'idx': idx,
        'node_emb1': node_emb1,
        'node_emb2': node_emb2,
        'emb1_w': emb1_w,
        'emb2_w': emb2_w,
        'lin1_w': lin1_w,
        'lin1_b': lin1_b,
        'lin2_w': lin2_w,
        'lin2_b': lin2_b,
    }


def reference(idx, node_emb1, node_emb2, emb1_w, emb2_w, lin1_w, lin1_b, lin2_w, lin2_b):
    # static_feat is None branch; node_emb1/node_emb2 are unused in the original forward
    n = idx.shape[0]
    nodevec1 = jnp.take(emb1_w, idx, axis=0)
    nodevec2 = jnp.take(emb2_w, idx, axis=0)
    nodevec1 = jnp.tanh(ALPHA * (nodevec1 @ lin1_w.T + lin1_b))
    nodevec2 = jnp.tanh(ALPHA * (nodevec2 @ lin2_w.T + lin2_b))
    a = nodevec1 @ nodevec2.T - nodevec2 @ nodevec1.T
    adj = jax.nn.relu(jnp.tanh(ALPHA * a))
    # torch.rand_like(adj) * 0.01 tie-breaking noise (fixed key for determinism)
    noise = jax.random.uniform(jax.random.key(1), (n, n), dtype=adj.dtype) * 0.01
    _, t1 = jax.lax.top_k(adj + noise, K)  # topk along dim 1, like adj.topk(k, 1)
    # mask.scatter_(1, t1, 1.0)
    mask = jnp.zeros((n, n), dtype=adj.dtype).at[jnp.arange(n)[:, None], t1].set(1.0)
    adj = adj * mask + jnp.eye(n, dtype=adj.dtype)
    # edge lists: for each row i -> k topk dst entries then a self loop (i, i)
    u = jnp.repeat(jnp.arange(n, dtype=jnp.int32), K + 1)
    v = jnp.concatenate([t1.astype(jnp.int32), jnp.arange(n, dtype=jnp.int32)[:, None]], axis=1).reshape(-1)
    edge_w = adj[u, v]
    # (graph u->v with weights, adjacency, reverse graph v->u with same weights)
    return adj, edge_w, u, v

if __name__ == "__main__":
    import jax
    _d = setup_inputs()
    print(jax.jit(kernel)(*tuple(_d.values())))

</pallas_src>

<mosaic_0001>
module attributes {stable_mosaic.version = 14 : i64} {
  func.func @_nv_kernel(%arg0: memref<10000x128xf32, #tpu.memory_space<vmem>>, %arg1: memref<10000x128xf32, #tpu.memory_space<vmem>>, %arg2: memref<128x128xf32, #tpu.memory_space<vmem>>, %arg3: memref<1x128xf32, #tpu.memory_space<vmem>>, %arg4: memref<128x128xf32, #tpu.memory_space<vmem>>, %arg5: memref<1x128xf32, #tpu.memory_space<vmem>>, %arg6: memref<10000x128xf32, #tpu.memory_space<vmem>>, %arg7: memref<10000x128xf32, #tpu.memory_space<vmem>>) attributes {dimension_semantics = [], scalar_prefetch = 0 : i64, scratch_operands = 0 : i64, tpu.core_type = #tpu.core_type<tc>} {
    %get3A = arith.constant 0 : index
    %get3A_0 = arith.constant 0 : index
    %get3A_1 = vector.load %arg0[%get3A, %get3A_0] : memref<10000x128xf32, #tpu.memory_space<vmem>>, vector<10000x128xf32>
    %get3A_2 = arith.constant 0 : index
    %get3A_3 = arith.constant 0 : index
    %get3A_4 = vector.load %arg2[%get3A_2, %get3A_3] : memref<128x128xf32, #tpu.memory_space<vmem>>, vector<128x128xf32>
    %dot_general3A = arith.constant dense<0.000000e+00> : vector<10000x128xf32>
    %dot_general3A_5 = tpu.matmul %get3A_1, %get3A_4, %dot_general3A {dimension_numbers = #tpu.dot_dimension_numbers<[1], [0], [0], [1], [0, 0, 1, 1], [], []>, transpose_lhs_hint = false} : vector<10000x128xf32>, vector<128x128xf32>, vector<10000x128xf32> -> vector<10000x128xf32>
    %get3A_6 = arith.constant 0 : index
    %get3A_7 = arith.constant 0 : index
    %get3A_8 = vector.load %arg3[%get3A_6, %get3A_7] : memref<1x128xf32, #tpu.memory_space<vmem>>, vector<1x128xf32>
    %add3A = vector.broadcast %get3A_8 : vector<1x128xf32> to vector<10000x128xf32>
    %add3A_9 = arith.addf %dot_general3A_5, %add3A : vector<10000x128xf32>
    %mul3A = arith.constant 3.000000e+00 : f32
    %mul3A_10 = vector.broadcast %mul3A : f32 to vector<10000x128xf32>
    %mul3A_11 = arith.mulf %mul3A_10, %add3A_9 : vector<10000x128xf32>
    %tanh3A = math.tanh %mul3A_11 : vector<10000x128xf32>
    %swap3A = arith.constant 0 : index
    %swap3A_12 = arith.constant 0 : index
    %swap3A_13 = vector.load %arg6[%swap3A, %swap3A_12] : memref<10000x128xf32, #tpu.memory_space<vmem>>, vector<10000x128xf32>
    tpu.vector_store %arg6[%swap3A, %swap3A_12], %tanh3A {strides = array<i32>} : memref<10000x128xf32, #tpu.memory_space<vmem>>, vector<10000x128xf32>,
    %get3A_14 = arith.constant 0 : index
    %get3A_15 = arith.constant 0 : index
    %get3A_16 = vector.load %arg1[%get3A_14, %get3A_15] : memref<10000x128xf32, #tpu.memory_space<vmem>>, vector<10000x128xf32>
    %get3A_17 = arith.constant 0 : index
    %get3A_18 = arith.constant 0 : index
    %get3A_19 = vector.load %arg4[%get3A_17, %get3A_18] : memref<128x128xf32, #tpu.memory_space<vmem>>, vector<128x128xf32>
    %dot_general3A_20 = arith.constant dense<0.000000e+00> : vector<10000x128xf32>
    %dot_general3A_21 = tpu.matmul %get3A_16, %get3A_19, %dot_general3A_20 {dimension_numbers = #tpu.dot_dimension_numbers<[1], [0], [0], [1], [0, 0, 1, 1], [], []>, transpose_lhs_hint = false} : vector<10000x128xf32>, vector<128x128xf32>, vector<10000x128xf32> -> vector<10000x128xf32>
    %get3A_22 = arith.constant 0 : index
    %get3A_23 = arith.constant 0 : index
    %get3A_24 = vector.load %arg5[%get3A_22, %get3A_23] : memref<1x128xf32, #tpu.memory_space<vmem>>, vector<1x128xf32>
    %add3A_25 = vector.broadcast %get3A_24 : vector<1x128xf32> to vector<10000x128xf32>
    %add3A_26 = arith.addf %dot_general3A_21, %add3A_25 : vector<10000x128xf32>
    %mul3A_27 = arith.constant 3.000000e+00 : f32
    %mul3A_28 = vector.broadcast %mul3A_27 : f32 to vector<10000x128xf32>
    %mul3A_29 = arith.mulf %mul3A_28, %add3A_26 : vector<10000x128xf32>
    %tanh3A_30 = math.tanh %mul3A_29 : vector<10000x128xf32>
    %swap3A_31 = arith.constant 0 : index
    %swap3A_32 = arith.constant 0 : index
    %swap3A_33 = vector.load %arg7[%swap3A_31, %swap3A_32] : memref<10000x128xf32, #tpu.memory_space<vmem>>, vector<10000x128xf32>
    tpu.vector_store %arg7[%swap3A_31, %swap3A_32], %tanh3A_30 {strides = array<i32>} : memref<10000x128xf32, #tpu.memory_space<vmem>>, vector<10000x128xf32>,
    return
  }
}

module attributes {stable_mosaic.version = 14 : i64} {
  func.func @_lambda_(%arg0: i32, %arg1: memref<80x128xf32, #tpu.memory_space<vmem>>, %arg2: memref<80x128xf32, #tpu.memory_space<vmem>>, %arg3: memref<10000x128xf32, #tpu.memory_space<vmem>>, %arg4: memref<10000x128xf32, #tpu.memory_space<vmem>>, %arg5: memref<80x10000xf32, #tpu.memory_space<vmem>>, %arg6: memref<80x17xi32, #tpu.memory_space<vmem>>, %arg7: memref<80x17xf32, #tpu.memory_space<vmem>>) attributes {dimension_semantics = [#tpu.dimension_semantics<arbitrary>], iteration_bounds = array<i64: 125>, scalar_prefetch = 0 : i64, scratch_operands = 0 : i64, tpu.core_type = #tpu.core_type<tc>, window_params = [{transform_indices = @transform_0, window_bounds = array<i64: 80, 128>}, {transform_indices = @transform_1, window_bounds = array<i64: 80, 128>}, {pipeline_mode = #tpu.pipeline_mode<synchronous>, transform_indices = @transform_2, window_bounds = array<i64: 10000, 128>}, {pipeline_mode = #tpu.pipeline_mode<synchronous>, transform_indices = @transform_3, window_bounds = array<i64: 10000, 128>}, {transform_indices = @transform_4, window_bounds = array<i64: 80, 10000>}, {transform_indices = @transform_5, window_bounds = array<i64: 80, 17>}, {transform_indices = @transform_6, window_bounds = array<i64: 80, 17>}]} {
    %iota3A = tpu.iota {dimensions = array<i32: 1>} : vector<80x10000xi32>
    %mul3A = arith.constant 80 : i32
    %mul3A_0 = arith.muli %arg0, %mul3A : i32
    %iota3A_1 = tpu.iota {dimensions = array<i32: 0>} : vector<80x1xi32>
    %add3A = vector.broadcast %mul3A_0 : i32 to vector<80x1xi32>
    %add3A_2 = arith.addi %add3A, %iota3A_1 : vector<80x1xi32>
    %get3A = arith.constant 0 : index
    %get3A_3 = arith.constant 0 : index
    %get3A_4 = vector.load %arg1[%get3A, %get3A_3] : memref<80x128xf32, #tpu.memory_space<vmem>>, vector<80x128xf32>
    %get3A_5 = arith.constant 0 : index
    %get3A_6 = arith.constant 0 : index
    %get3A_7 = vector.load %arg4[%get3A_5, %get3A_6] : memref<10000x128xf32, #tpu.memory_space<vmem>>, vector<10000x128xf32>
    %dot_general3A = arith.constant dense<0.000000e+00> : vector<80x10000xf32>
    %dot_general3A_8 = tpu.matmul %get3A_4, %get3A_7, %dot_general3A {dimension_numbers = #tpu.dot_dimension_numbers<[1], [1], [0], [0], [0, 0, 1, 0], [], []>, transpose_lhs_hint = false} : vector<80x128xf32>, vector<10000x128xf32>, vector<80x10000xf32> -> vector<80x10000xf32>
    %get3A_9 = arith.constant 0 : index
    %get3A_10 = arith.constant 0 : index
    %get3A_11 = vector.load %arg2[%get3A_9, %get3A_10] : memref<80x128xf32, #tpu.memory_space<vmem>>, vector<80x128xf32>
    %get3A_12 = arith.constant 0 : index
    %get3A_13 = arith.constant 0 : index
    %get3A_14 = vector.load %arg3[%get3A_12, %get3A_13] : memref<10000x128xf32, #tpu.memory_space<vmem>>, vector<10000x128xf32>
    %dot_general3A_15 = arith.constant dense<0.000000e+00> : vector<80x10000xf32>
    %dot_general3A_16 = tpu.matmul %get3A_11, %get3A_14, %dot_general3A_15 {dimension_numbers = #tpu.dot_dimension_numbers<[1], [1], [0], [0], [0, 0, 1, 0], [], []>, transpose_lhs_hint = false} : vector<80x128xf32>, vector<10000x128xf32>, vector<80x10000xf32> -> vector<80x10000xf32>
    %sub3A = arith.subf %dot_general3A_8, %dot_general3A_16 : vector<80x10000xf32>
    %mul3A_17 = arith.constant 3.000000e+00 : f32
    %mul3A_18 = vector.broadcast %mul3A_17 : f32 to vector<80x10000xf32>
    %mul3A_19 = arith.mulf %mul3A_18, %sub3A : vector<80x10000xf32>
    %tanh3A = math.tanh %mul3A_19 : vector<80x10000xf32>
    %max3A = arith.constant 0.000000e+00 : f32
    %max3A_20 = vector.broadcast %max3A : f32 to vector<80x10000xf32>
    %max3A_21 = arith.maximumf %tanh3A, %max3A_20 : vector<80x10000xf32>
    %mul3A_22 = arith.constant 10000 : i32
    %mul3A_23 = vector.broadcast %mul3A_22 : i32 to vector<80x1xi32>
    %mul3A_24 = arith.muli %add3A_2, %mul3A_23 : vector<80x1xi32>
    %add3A_25 = vector.broadcast %mul3A_24 : vector<80x1xi32> to vector<80x10000xi32>
    %add3A_26 = arith.addi %add3A_25, %iota3A : vector<80x10000xi32>
    %broadcast_in_dim3A = arith.constant 0 : i32
    %broadcast_in_dim3A_27 = vector.broadcast %broadcast_in_dim3A : i32 to vector<80x10000xi32>
    %add3A_28 = arith.constant 0 : i32
    %add3A_29 = vector.broadcast %add3A_28 : i32 to vector<80x10000xi32>
    %add3A_30 = arith.addi %broadcast_in_dim3A_27, %add3A_29 : vector<80x10000xi32>
    %add3A_31 = arith.constant 1 : i32
    %add3A_32 = vector.broadcast %add3A_31 : i32 to vector<80x10000xi32>
    %add3A_33 = arith.addi %add3A_26, %add3A_32 : vector<80x10000xi32>
    %add3A_34 = arith.addi %add3A_30, %add3A_33 : vector<80x10000xi32>
    %shift_left3A = arith.constant 13 : i32
    %shift_left3A_35 = vector.broadcast %shift_left3A : i32 to vector<80x10000xi32>
    %shift_left3A_36 = arith.shli %add3A_33, %shift_left3A_35 : vector<80x10000xi32>
    %shift_right_logical3A = arith.constant 19 : i32
    %shift_right_logical3A_37 = vector.broadcast %shift_right_logical3A : i32 to vector<80x10000xi32>
    %shift_right_logical3A_38 = arith.shrui %add3A_33, %shift_right_logical3A_37 : vector<80x10000xi32>
    %or3A = arith.ori %shift_left3A_36, %shift_right_logical3A_38 : vector<80x10000xi32>
    %xor3A = arith.xori %add3A_34, %or3A : vector<80x10000xi32>
    %add3A_39 = arith.addi %add3A_34, %xor3A : vector<80x10000xi32>
    %shift_left3A_40 = arith.constant 15 : i32
    %shift_left3A_41 = vector.broadcast %shift_left3A_40 : i32 to vector<80x10000xi32>
    %shift_left3A_42 = arith.shli %xor3A, %shift_left3A_41 : vector<80x10000xi32>
    %shift_right_logical3A_43 = arith.constant 17 : i32
    %shift_right_logical3A_44 = vector.broadcast %shift_right_logical3A_43 : i32 to vector<80x10000xi32>
    %shift_right_logical3A_45 = arith.shrui %xor3A, %shift_right_logical3A_44 : vector<80x10000xi32>
    %or3A_46 = arith.ori %shift_left3A_42, %shift_right_logical3A_45 : vector<80x10000xi32>
    %xor3A_47 = arith.xori %add3A_39, %or3A_46 : vector<80x10000xi32>
    %add3A_48 = arith.addi %add3A_39, %xor3A_47 : vector<80x10000xi32>
    %shift_left3A_49 = arith.constant 26 : i32
    %shift_left3A_50 = vector.broadcast %shift_left3A_49 : i32 to vector<80x10000xi32>
    %shift_left3A_51 = arith.shli %xor3A_47, %shift_left3A_50 : vector<80x10000xi32>
    %shift_right_logical3A_52 = arith.constant 6 : i32
    %shift_right_logical3A_53 = vector.broadcast %shift_right_logical3A_52 : i32 to vector<80x10000xi32>
    %shift_right_logical3A_54 = arith.shrui %xor3A_47, %shift_right_logical3A_53 : vector<80x10000xi32>
    %or3A_55 = arith.ori %shift_left3A_51, %shift_right_logical3A_54 : vector<80x10000xi32>
    %xor3A_56 = arith.xori %add3A_48, %or3A_55 : vector<80x10000xi32>
    %add3A_57 = arith.addi %add3A_48, %xor3A_56 : vector<80x10000xi32>
    %shift_left3A_58 = arith.constant 6 : i32
    %shift_left3A_59 = vector.broadcast %shift_left3A_58 : i32 to vector<80x10000xi32>
    %shift_left3A_60 = arith.shli %xor3A_56, %shift_left3A_59 : vector<80x10000xi32>
    %shift_right_logical3A_61 = arith.constant 26 : i32
    %shift_right_logical3A_62 = vector.broadcast %shift_right_logical3A_61 : i32 to vector<80x10000xi32>
    %shift_right_logical3A_63 = arith.shrui %xor3A_56, %shift_right_logical3A_62 : vector<80x10000xi32>
    %or3A_64 = arith.ori %shift_left3A_60, %shift_right_logical3A_63 : vector<80x10000xi32>
    %xor3A_65 = arith.xori %add3A_57, %or3A_64 : vector<80x10000xi32>
    %add3A_66 = arith.constant 1 : i32
    %add3A_67 = vector.broadcast %add3A_66 : i32 to vector<80x10000xi32>
    %add3A_68 = arith.addi %add3A_57, %add3A_67 : vector<80x10000xi32>
    %add3A_69 = arith.constant 466688987 : i32
    %add3A_70 = vector.broadcast %add3A_69 : i32 to vector<80x10000xi32>
    %add3A_71 = arith.addi %xor3A_65, %add3A_70 : vector<80x10000xi32>
    %add3A_72 = arith.constant 1 : i32
    %add3A_73 = vector.broadcast %add3A_72 : i32 to vector<80x10000xi32>
    %add3A_74 = arith.addi %add3A_71, %add3A_73 : vector<80x10000xi32>
    %add3A_75 = arith.addi %add3A_68, %add3A_74 : vector<80x10000xi32>
    %shift_left3A_76 = arith.constant 17 : i32
    %shift_left3A_77 = vector.broadcast %shift_left3A_76 : i32 to vector<80x10000xi32>
    %shift_left3A_78 = arith.shli %add3A_74, %shift_left3A_77 : vector<80x10000xi32>
    %shift_right_logical3A_79 = arith.constant 15 : i32
    %shift_right_logical3A_80 = vector.broadcast %shift_right_logical3A_79 : i32 to vector<80x10000xi32>
    %shift_right_logical3A_81 = arith.shrui %add3A_74, %shift_right_logical3A_80 : vector<80x10000xi32>
    %or3A_82 = arith.ori %shift_left3A_78, %shift_right_logical3A_81 : vector<80x10000xi32>
    %xor3A_83 = arith.xori %add3A_75, %or3A_82 : vector<80x10000xi32>
    %add3A_84 = arith.addi %add3A_75, %xor3A_83 : vector<80x10000xi32>
    %shift_left3A_85 = arith.constant 29 : i32
    %shift_left3A_86 = vector.broadcast %shift_left3A_85 : i32 to vector<80x10000xi32>
    %shift_left3A_87 = arith.shli %xor3A_83, %shift_left3A_86 : vector<80x10000xi32>
    %shift_right_logical3A_88 = arith.constant 3 : i32
    %shift_right_logical3A_89 = vector.broadcast %shift_right_logical3A_88 : i32 to vector<80x10000xi32>
    %shift_right_logical3A_90 = arith.shrui %xor3A_83, %shift_right_logical3A_89 : vector<80x10000xi32>
    %or3A_91 = arith.ori %shift_left3A_87, %shift_right_logical3A_90 : vector<80x10000xi32>
    %xor3A_92 = arith.xori %add3A_84, %or3A_91 : vector<80x10000xi32>
    %add3A_93 = arith.addi %add3A_84, %xor3A_92 : vector<80x10000xi32>
    %shift_left3A_94 = arith.constant 16 : i32
    %shift_left3A_95 = vector.broadcast %shift_left3A_94 : i32 to vector<80x10000xi32>
    %shift_left3A_96 = arith.shli %xor3A_92, %shift_left3A_95 : vector<80x10000xi32>
    %shift_right_logical3A_97 = arith.constant 16 : i32
    %shift_right_logical3A_98 = vector.broadcast %shift_right_logical3A_97 : i32 to vector<80x10000xi32>
    %shift_right_logical3A_99 = arith.shrui %xor3A_92, %shift_right_logical3A_98 : vector<80x10000xi32>
    %or3A_100 = arith.ori %shift_left3A_96, %shift_right_logical3A_99 : vector<80x10000xi32>
    %xor3A_101 = arith.xori %add3A_93, %or3A_100 : vector<80x10000xi32>
    %add3A_102 = arith.addi %add3A_93, %xor3A_101 : vector<80x10000xi32>
    %shift_left3A_103 = arith.constant 24 : i32
    %shift_left3A_104 = vector.broadcast %shift_left3A_103 : i32 to vector<80x10000xi32>
    %shift_left3A_105 = arith.shli %xor3A_101, %shift_left3A_104 : vector<80x10000xi32>
    %shift_right_logical3A_106 = arith.constant 8 : i32
    %shift_right_logical3A_107 = vector.broadcast %shift_right_logical3A_106 : i32 to vector<80x10000xi32>
    %shift_right_logical3A_108 = arith.shrui %xor3A_101, %shift_right_logical3A_107 : vector<80x10000xi32>
    %or3A_109 = arith.ori %shift_left3A_105, %shift_right_logical3A_108 : vector<80x10000xi32>
    %xor3A_110 = arith.xori %add3A_102, %or3A_109 : vector<80x10000xi32>
    %add3A_111 = arith.constant 466688987 : i32
    %add3A_112 = vector.broadcast %add3A_111 : i32 to vector<80x10000xi32>
    %add3A_113 = arith.addi %add3A_102, %add3A_112 : vector<80x10000xi32>
    %add3A_114 = arith.constant 0 : i32
    %add3A_115 = vector.broadcast %add3A_114 : i32 to vector<80x10000xi32>
    %add3A_116 = arith.addi %xor3A_110, %add3A_115 : vector<80x10000xi32>
    %add3A_117 = arith.constant 2 : i32
    %add3A_118 = vector.broadcast %add3A_117 : i32 to vector<80x10000xi32>
    %add3A_119 = arith.addi %add3A_116, %add3A_118 : vector<80x10000xi32>
    %add3A_120 = arith.addi %add3A_113, %add3A_119 : vector<80x10000xi32>
    %shift_left3A_121 = arith.constant 13 : i32
    %shift_left3A_122 = vector.broadcast %shift_left3A_121 : i32 to vector<80x10000xi32>
    %shift_left3A_123 = arith.shli %add3A_119, %shift_left3A_122 : vector<80x10000xi32>
    %shift_right_logical3A_124 = arith.constant 19 : i32
    %shift_right_logical3A_125 = vector.broadcast %shift_right_logical3A_124 : i32 to vector<80x10000xi32>
    %shift_right_logical3A_126 = arith.shrui %add3A_119, %shift_right_logical3A_125 : vector<80x10000xi32>
    %or3A_127 = arith.ori %shift_left3A_123, %shift_right_logical3A_126 : vector<80x10000xi32>
    %xor3A_128 = arith.xori %add3A_120, %or3A_127 : vector<80x10000xi32>
    %add3A_129 = arith.addi %add3A_120, %xor3A_128 : vector<80x10000xi32>
    %shift_left3A_130 = arith.constant 15 : i32
    %shift_left3A_131 = vector.broadcast %shift_left3A_130 : i32 to vector<80x10000xi32>
    %shift_left3A_132 = arith.shli %xor3A_128, %shift_left3A_131 : vector<80x10000xi32>
    %shift_right_logical3A_133 = arith.constant 17 : i32
    %shift_right_logical3A_134 = vector.broadcast %shift_right_logical3A_133 : i32 to vector<80x10000xi32>
    %shift_right_logical3A_135 = arith.shrui %xor3A_128, %shift_right_logical3A_134 : vector<80x10000xi32>
    %or3A_136 = arith.ori %shift_left3A_132, %shift_right_logical3A_135 : vector<80x10000xi32>
    %xor3A_137 = arith.xori %add3A_129, %or3A_136 : vector<80x10000xi32>
    %add3A_138 = arith.addi %add3A_129, %xor3A_137 : vector<80x10000xi32>
    %shift_left3A_139 = arith.constant 26 : i32
    %shift_left3A_140 = vector.broadcast %shift_left3A_139 : i32 to vector<80x10000xi32>
    %shift_left3A_141 = arith.shli %xor3A_137, %shift_left3A_140 : vector<80x10000xi32>
    %shift_right_logical3A_142 = arith.constant 6 : i32
    %shift_right_logical3A_143 = vector.broadcast %shift_right_logical3A_142 : i32 to vector<80x10000xi32>
    %shift_right_logical3A_144 = arith.shrui %xor3A_137, %shift_right_logical3A_143 : vector<80x10000xi32>
    %or3A_145 = arith.ori %shift_left3A_141, %shift_right_logical3A_144 : vector<80x10000xi32>
    %xor3A_146 = arith.xori %add3A_138, %or3A_145 : vector<80x10000xi32>
    %add3A_147 = arith.addi %add3A_138, %xor3A_146 : vector<80x10000xi32>
    %shift_left3A_148 = arith.constant 6 : i32
    %shift_left3A_149 = vector.broadcast %shift_left3A_148 : i32 to vector<80x10000xi32>
    %shift_left3A_150 = arith.shli %xor3A_146, %shift_left3A_149 : vector<80x10000xi32>
    %shift_right_logical3A_151 = arith.constant 26 : i32
    %shift_right_logical3A_152 = vector.broadcast %shift_right_logical3A_151 : i32 to vector<80x10000xi32>
    %shift_right_logical3A_153 = arith.shrui %xor3A_146, %shift_right_logical3A_152 : vector<80x10000xi32>
    %or3A_154 = arith.ori %shift_left3A_150, %shift_right_logical3A_153 : vector<80x10000xi32>
    %xor3A_155 = arith.xori %add3A_147, %or3A_154 : vector<80x10000xi32>
    %add3A_156 = arith.constant 0 : i32
    %add3A_157 = vector.broadcast %add3A_156 : i32 to vector<80x10000xi32>
    %add3A_158 = arith.addi %add3A_147, %add3A_157 : vector<80x10000xi32>
    %add3A_159 = arith.constant 1 : i32
    %add3A_160 = vector.broadcast %add3A_159 : i32 to vector<80x10000xi32>
    %add3A_161 = arith.addi %xor3A_155, %add3A_160 : vector<80x10000xi32>
    %add3A_162 = arith.constant 3 : i32
    %add3A_163 = vector.broadcast %add3A_162 : i32 to vector<80x10000xi32>
    %add3A_164 = arith.addi %add3A_161, %add3A_163 : vector<80x10000xi32>
    %add3A_165 = arith.addi %add3A_158, %add3A_164 : vector<80x10000xi32>
    %shift_left3A_166 = arith.constant 17 : i32
    %shift_left3A_167 = vector.broadcast %shift_left3A_166 : i32 to vector<80x10000xi32>
    %shift_left3A_168 = arith.shli %add3A_164, %shift_left3A_167 : vector<80x10000xi32>
    %shift_right_logical3A_169 = arith.constant 15 : i32
    %shift_right_logical3A_170 = vector.broadcast %shift_right_logical3A_169 : i32 to vector<80x10000xi32>
    %shift_right_logical3A_171 = arith.shrui %add3A_164, %shift_right_logical3A_170 : vector<80x10000xi32>
    %or3A_172 = arith.ori %shift_left3A_168, %shift_right_logical3A_171 : vector<80x10000xi32>
    %xor3A_173 = arith.xori %add3A_165, %or3A_172 : vector<80x10000xi32>
    %add3A_174 = arith.addi %add3A_165, %xor3A_173 : vector<80x10000xi32>
    %shift_left3A_175 = arith.constant 29 : i32
    %shift_left3A_176 = vector.broadcast %shift_left3A_175 : i32 to vector<80x10000xi32>
    %shift_left3A_177 = arith.shli %xor3A_173, %shift_left3A_176 : vector<80x10000xi32>
    %shift_right_logical3A_178 = arith.constant 3 : i32
    %shift_right_logical3A_179 = vector.broadcast %shift_right_logical3A_178 : i32 to vector<80x10000xi32>
    %shift_right_logical3A_180 = arith.shrui %xor3A_173, %shift_right_logical3A_179 : vector<80x10000xi32>
    %or3A_181 = arith.ori %shift_left3A_177, %shift_right_logical3A_180 : vector<80x10000xi32>
    %xor3A_182 = arith.xori %add3A_174, %or3A_181 : vector<80x10000xi32>
    %add3A_183 = arith.addi %add3A_174, %xor3A_182 : vector<80x10000xi32>
    %shift_left3A_184 = arith.constant 16 : i32
    %shift_left3A_185 = vector.broadcast %shift_left3A_184 : i32 to vector<80x10000xi32>
    %shift_left3A_186 = arith.shli %xor3A_182, %shift_left3A_185 : vector<80x10000xi32>
    %shift_right_logical3A_187 = arith.constant 16 : i32
    %shift_right_logical3A_188 = vector.broadcast %shift_right_logical3A_187 : i32 to vector<80x10000xi32>
    %shift_right_logical3A_189 = arith.shrui %xor3A_182, %shift_right_logical3A_188 : vector<80x10000xi32>
    %or3A_190 = arith.ori %shift_left3A_186, %shift_right_logical3A_189 : vector<80x10000xi32>
    %xor3A_191 = arith.xori %add3A_183, %or3A_190 : vector<80x10000xi32>
    %add3A_192 = arith.addi %add3A_183, %xor3A_191 : vector<80x10000xi32>
    %shift_left3A_193 = arith.constant 24 : i32
    %shift_left3A_194 = vector.broadcast %shift_left3A_193 : i32 to vector<80x10000xi32>
    %shift_left3A_195 = arith.shli %xor3A_191, %shift_left3A_194 : vector<80x10000xi32>
    %shift_right_logical3A_196 = arith.constant 8 : i32
    %shift_right_logical3A_197 = vector.broadcast %shift_right_logical3A_196 : i32 to vector<80x10000xi32>
    %shift_right_logical3A_198 = arith.shrui %xor3A_191, %shift_right_logical3A_197 : vector<80x10000xi32>
    %or3A_199 = arith.ori %shift_left3A_195, %shift_right_logical3A_198 : vector<80x10000xi32>
    %xor3A_200 = arith.xori %add3A_192, %or3A_199 : vector<80x10000xi32>
    %add3A_201 = arith.constant 1 : i32
    %add3A_202 = vector.broadcast %add3A_201 : i32 to vector<80x10000xi32>
    %add3A_203 = arith.addi %add3A_192, %add3A_202 : vector<80x10000xi32>
    %add3A_204 = arith.constant 466688987 : i32
    %add3A_205 = vector.broadcast %add3A_204 : i32 to vector<80x10000xi32>
    %add3A_206 = arith.addi %xor3A_200, %add3A_205 : vector<80x10000xi32>
    %add3A_207 = arith.constant 4 : i32
    %add3A_208 = vector.broadcast %add3A_207 : i32 to vector<80x10000xi32>
    %add3A_209 = arith.addi %add3A_206, %add3A_208 : vector<80x10000xi32>
    %add3A_210 = arith.addi %add3A_203, %add3A_209 : vector<80x10000xi32>
    %shift_left3A_211 = arith.constant 13 : i32
    %shift_left3A_212 = vector.broadcast %shift_left3A_211 : i32 to vector<80x10000xi32>
    %shift_left3A_213 = arith.shli %add3A_209, %shift_left3A_212 : vector<80x10000xi32>
    %shift_right_logical3A_214 = arith.constant 19 : i32
    %shift_right_logical3A_215 = vector.broadcast %shift_right_logical3A_214 : i32 to vector<80x10000xi32>
    %shift_right_logical3A_216 = arith.shrui %add3A_209, %shift_right_logical3A_215 : vector<80x10000xi32>
    %or3A_217 = arith.ori %shift_left3A_213, %shift_right_logical3A_216 : vector<80x10000xi32>
    %xor3A_218 = arith.xori %add3A_210, %or3A_217 : vector<80x10000xi32>
    %add3A_219 = arith.addi %add3A_210, %xor3A_218 : vector<80x10000xi32>
    %shift_left3A_220 = arith.constant 15 : i32
    %shift_left3A_221 = vector.broadcast %shift_left3A_220 : i32 to vector<80x10000xi32>
    %shift_left3A_222 = arith.shli %xor3A_218, %shift_left3A_221 : vector<80x10000xi32>
    %shift_right_logical3A_223 = arith.constant 17 : i32
    %shift_right_logical3A_224 = vector.broadcast %shift_right_logical3A_223 : i32 to vector<80x10000xi32>
    %shift_right_logical3A_225 = arith.shrui %xor3A_218, %shift_right_logical3A_224 : vector<80x10000xi32>
    %or3A_226 = arith.ori %shift_left3A_222, %shift_right_logical3A_225 : vector<80x10000xi32>
    %xor3A_227 = arith.xori %add3A_219, %or3A_226 : vector<80x10000xi32>
    %add3A_228 = arith.addi %add3A_219, %xor3A_227 : vector<80x10000xi32>
    %shift_left3A_229 = arith.constant 26 : i32
    %shift_left3A_230 = vector.broadcast %shift_left3A_229 : i32 to vector<80x10000xi32>
    %shift_left3A_231 = arith.shli %xor3A_227, %shift_left3A_230 : vector<80x10000xi32>
    %shift_right_logical3A_232 = arith.constant 6 : i32
    %shift_right_logical3A_233 = vector.broadcast %shift_right_logical3A_232 : i32 to vector<80x10000xi32>
    %shift_right_logical3A_234 = arith.shrui %xor3A_227, %shift_right_logical3A_233 : vector<80x10000xi32>
    %or3A_235 = arith.ori %shift_left3A_231, %shift_right_logical3A_234 : vector<80x10000xi32>
    %xor3A_236 = arith.xori %add3A_228, %or3A_235 : vector<80x10000xi32>
    %add3A_237 = arith.addi %add3A_228, %xor3A_236 : vector<80x10000xi32>
    %shift_left3A_238 = arith.constant 6 : i32
    %shift_left3A_239 = vector.broadcast %shift_left3A_238 : i32 to vector<80x10000xi32>
    %shift_left3A_240 = arith.shli %xor3A_236, %shift_left3A_239 : vector<80x10000xi32>
    %shift_right_logical3A_241 = arith.constant 26 : i32
    %shift_right_logical3A_242 = vector.broadcast %shift_right_logical3A_241 : i32 to vector<80x10000xi32>
    %shift_right_logical3A_243 = arith.shrui %xor3A_236, %shift_right_logical3A_242 : vector<80x10000xi32>
    %or3A_244 = arith.ori %shift_left3A_240, %shift_right_logical3A_243 : vector<80x10000xi32>
    %xor3A_245 = arith.xori %add3A_237, %or3A_244 : vector<80x10000xi32>
    %add3A_246 = arith.constant 466688987 : i32
    %add3A_247 = vector.broadcast %add3A_246 : i32 to vector<80x10000xi32>
    %add3A_248 = arith.addi %add3A_237, %add3A_247 : vector<80x10000xi32>
    %add3A_249 = arith.constant 0 : i32
    %add3A_250 = vector.broadcast %add3A_249 : i32 to vector<80x10000xi32>
    %add3A_251 = arith.addi %xor3A_245, %add3A_250 : vector<80x10000xi32>
    %add3A_252 = arith.constant 5 : i32
    %add3A_253 = vector.broadcast %add3A_252 : i32 to vector<80x10000xi32>
    %add3A_254 = arith.addi %add3A_251, %add3A_253 : vector<80x10000xi32>
    %xor3A_255 = arith.xori %add3A_248, %add3A_254 : vector<80x10000xi32>
    %shift_right_logical3A_256 = arith.constant 9 : i32
    %shift_right_logical3A_257 = vector.broadcast %shift_right_logical3A_256 : i32 to vector<80x10000xi32>
    %shift_right_logical3A_258 = arith.shrui %xor3A_255, %shift_right_logical3A_257 : vector<80x10000xi32>
    %or3A_259 = arith.constant 1065353216 : i32
    %or3A_260 = vector.broadcast %or3A_259 : i32 to vector<80x10000xi32>
    %or3A_261 = arith.ori %shift_right_logical3A_258, %or3A_260 : vector<80x10000xi32>
    %bitcast_convert_type3A = tpu.bitcast %or3A_261 : vector<80x10000xi32> -> vector<80x10000xf32>
    %sub3A_262 = arith.constant 1.000000e+00 : f32
    %sub3A_263 = vector.broadcast %sub3A_262 : f32 to vector<80x10000xf32>
    %sub3A_264 = arith.subf %bitcast_convert_type3A, %sub3A_263 : vector<80x10000xf32>
    %mul3A_265 = arith.constant 0.00999999977 : f32
    %mul3A_266 = vector.broadcast %mul3A_265 : f32 to vector<80x10000xf32>
    %mul3A_267 = arith.mulf %sub3A_264, %mul3A_266 : vector<80x10000xf32>
    %add3A_268 = arith.addf %max3A_21, %mul3A_267 : vector<80x10000xf32>
    %reduce_max3A = arith.constant dense<0xFF800000> : vector<80xf32>
    %reduce_max3A_269 = vector.multi_reduction <maximumf>, %add3A_268, %reduce_max3A [1] : vector<80x10000xf32> to vector<80xf32>
    %broadcast_in_dim3A_270 = vector.shape_cast %reduce_max3A_269 : vector<80xf32> to vector<80x1xf32>
    %eq3A = vector.broadcast %broadcast_in_dim3A_270 : vector<80x1xf32> to vector<80x10000xf32>
    %eq3A_271 = arith.cmpf oeq, %add3A_268, %eq3A : vector<80x10000xf32>
    %jit3A = arith.constant 10000 : i32
    %broadcast_in_dim3A_272 = vector.broadcast %jit3A : i32 to vector<80x10000xi32>
    %select_n3A = arith.select %eq3A_271, %iota3A, %broadcast_in_dim3A_272 : vector<80x10000xi1>, vector<80x10000xi32>
    %reduce_min3A = arith.constant dense<2147483647> : vector<80xi32>
    %reduce_min3A_273 = vector.multi_reduction <minsi>, %select_n3A, %reduce_min3A [1] : vector<80x10000xi32> to vector<80xi32>
    %broadcast_in_dim3A_274 = vector.shape_cast %reduce_min3A_273 : vector<80xi32> to vector<80x1xi32>
    %eq3A_275 = vector.broadcast %broadcast_in_dim3A_274 : vector<80x1xi32> to vector<80x10000xi32>
    %eq3A_276 = arith.cmpi eq, %iota3A, %eq3A_275 : vector<80x10000xi32>
    %jit3A_277 = arith.constant 0xFF800000 : f32
    %broadcast_in_dim3A_278 = vector.broadcast %jit3A_277 : f32 to vector<80x10000xf32>
    %select_n3A_279 = arith.select %eq3A_276, %broadcast_in_dim3A_278, %add3A_268 : vector<80x10000xi1>, vector<80x10000xf32>
    %reduce_max3A_280 = arith.constant dense<0xFF800000> : vector<80xf32>
    %reduce_max3A_281 = vector.multi_reduction <maximumf>, %select_n3A_279, %reduce_max3A_280 [1] : vector<80x10000xf32> to vector<80xf32>
    %broadcast_in_dim3A_282 = vector.shape_cast %reduce_max3A_281 : vector<80xf32> to vector<80x1xf32>
    %eq3A_283 = vector.broadcast %broadcast_in_dim3A_282 : vector<80x1xf32> to vector<80x10000xf32>
    %eq3A_284 = arith.cmpf oeq, %select_n3A_279, %eq3A_283 : vector<80x10000xf32>
    %jit3A_285 = arith.constant 10000 : i32
    %broadcast_in_dim3A_286 = vector.broadcast %jit3A_285 : i32 to vector<80x10000xi32>
    %select_n3A_287 = arith.select %eq3A_284, %iota3A, %broadcast_in_dim3A_286 : vector<80x10000xi1>, vector<80x10000xi32>
    %reduce_min3A_288 = arith.constant dense<2147483647> : vector<80xi32>
    %reduce_min3A_289 = vector.multi_reduction <minsi>, %select_n3A_287, %reduce_min3A_288 [1] : vector<80x10000xi32> to vector<80xi32>
    %broadcast_in_dim3A_290 = vector.shape_cast %reduce_min3A_289 : vector<80xi32> to vector<80x1xi32>
    %eq3A_291 = vector.broadcast %broadcast_in_dim3A_290 : vector<80x1xi32> to vector<80x10000xi32>
    %eq3A_292 = arith.cmpi eq, %iota3A, %eq3A_291 : vector<80x10000xi32>
    %jit3A_293 = arith.constant 0xFF800000 : f32
    %broadcast_in_dim3A_294 = vector.broadcast %jit3A_293 : f32 to vector<80x10000xf32>
    %select_n3A_295 = arith.select %eq3A_292, %broadcast_in_dim3A_294, %select_n3A_279 : vector<80x10000xi1>, vector<80x10000xf32>
    %reduce_max3A_296 = arith.constant dense<0xFF800000> : vector<80xf32>
    %reduce_max3A_297 = vector.multi_reduction <maximumf>, %select_n3A_295, %reduce_max3A_296 [1] : vector<80x10000xf32> to vector<80xf32>
    %broadcast_in_dim3A_298 = vector.shape_cast %reduce_max3A_297 : vector<80xf32> to vector<80x1xf32>
    %eq3A_299 = vector.broadcast %broadcast_in_dim3A_298 : vector<80x1xf32> to vector<80x10000xf32>
    %eq3A_300 = arith.cmpf oeq, %select_n3A_295, %eq3A_299 : vector<80x10000xf32>
    %jit3A_301 = arith.constant 10000 : i32
    %broadcast_in_dim3A_302 = vector.broadcast %jit3A_301 : i32 to vector<80x10000xi32>
    %select_n3A_303 = arith.select %eq3A_300, %iota3A, %broadcast_in_dim3A_302 : vector<80x10000xi1>, vector<80x10000xi32>
    %reduce_min3A_304 = arith.constant dense<2147483647> : vector<80xi32>
    %reduce_min3A_305 = vector.multi_reduction <minsi>, %select_n3A_303, %reduce_min3A_304 [1] : vector<80x10000xi32> to vector<80xi32>
    %broadcast_in_dim3A_306 = vector.shape_cast %reduce_min3A_305 : vector<80xi32> to vector<80x1xi32>
    %eq3A_307 = vector.broadcast %broadcast_in_dim3A_306 : vector<80x1xi32> to vector<80x10000xi32>
    %eq3A_308 = arith.cmpi eq, %iota3A, %eq3A_307 : vector<80x10000xi32>
    %jit3A_309 = arith.constant 0xFF800000 : f32
    %broadcast_in_dim3A_310 = vector.broadcast %jit3A_309 : f32 to vector<80x10000xf32>
    %select_n3A_311 = arith.select %eq3A_308, %broadcast_in_dim3A_310, %select_n3A_295 : vector<80x10000xi1>, vector<80x10000xf32>
    %reduce_max3A_312 = arith.constant dense<0xFF800000> : vector<80xf32>
    %reduce_max3A_313 = vector.multi_reduction <maximumf>, %select_n3A_311, %reduce_max3A_312 [1] : vector<80x10000xf32> to vector<80xf32>
    %broadcast_in_dim3A_314 = vector.shape_cast %reduce_max3A_313 : vector<80xf32> to vector<80x1xf32>
    %eq3A_315 = vector.broadcast %broadcast_in_dim3A_314 : vector<80x1xf32> to vector<80x10000xf32>
    %eq3A_316 = arith.cmpf oeq, %select_n3A_311, %eq3A_315 : vector<80x10000xf32>
    %jit3A_317 = arith.constant 10000 : i32
    %broadcast_in_dim3A_318 = vector.broadcast %jit3A_317 : i32 to vector<80x10000xi32>
    %select_n3A_319 = arith.select %eq3A_316, %iota3A, %broadcast_in_dim3A_318 : vector<80x10000xi1>, vector<80x10000xi32>
    %reduce_min3A_320 = arith.constant dense<2147483647> : vector<80xi32>
    %reduce_min3A_321 = vector.multi_reduction <minsi>, %select_n3A_319, %reduce_min3A_320 [1] : vector<80x10000xi32> to vector<80xi32>
    %broadcast_in_dim3A_322 = vector.shape_cast %reduce_min3A_321 : vector<80xi32> to vector<80x1xi32>
    %eq3A_323 = vector.broadcast %broadcast_in_dim3A_322 : vector<80x1xi32> to vector<80x10000xi32>
    %eq3A_324 = arith.cmpi eq, %iota3A, %eq3A_323 : vector<80x10000xi32>
    %jit3A_325 = arith.constant 0xFF800000 : f32
    %broadcast_in_dim3A_326 = vector.broadcast %jit3A_325 : f32 to vector<80x10000xf32>
    %select_n3A_327 = arith.select %eq3A_324, %broadcast_in_dim3A_326, %select_n3A_311 : vector<80x10000xi1>, vector<80x10000xf32>
    %reduce_max3A_328 = arith.constant dense<0xFF800000> : vector<80xf32>
    %reduce_max3A_329 = vector.multi_reduction <maximumf>, %select_n3A_327, %reduce_max3A_328 [1] : vector<80x10000xf32> to vector<80xf32>
    %broadcast_in_dim3A_330 = vector.shape_cast %reduce_max3A_329 : vector<80xf32> to vector<80x1xf32>
    %eq3A_331 = vector.broadcast %broadcast_in_dim3A_330 : vector<80x1xf32> to vector<80x10000xf32>
    %eq3A_332 = arith.cmpf oeq, %select_n3A_327, %eq3A_331 : vector<80x10000xf32>
    %jit3A_333 = arith.constant 10000 : i32
    %broadcast_in_dim3A_334 = vector.broadcast %jit3A_333 : i32 to vector<80x10000xi32>
    %select_n3A_335 = arith.select %eq3A_332, %iota3A, %broadcast_in_dim3A_334 : vector<80x10000xi1>, vector<80x10000xi32>
    %reduce_min3A_336 = arith.constant dense<2147483647> : vector<80xi32>
    %reduce_min3A_337 = vector.multi_reduction <minsi>, %select_n3A_335, %reduce_min3A_336 [1] : vector<80x10000xi32> to vector<80xi32>
    %broadcast_in_dim3A_338 = vector.shape_cast %reduce_min3A_337 : vector<80xi32> to vector<80x1xi32>
    %eq3A_339 = vector.broadcast %broadcast_in_dim3A_338 : vector<80x1xi32> to vector<80x10000xi32>
    %eq3A_340 = arith.cmpi eq, %iota3A, %eq3A_339 : vector<80x10000xi32>
    %jit3A_341 = arith.constant 0xFF800000 : f32
    %broadcast_in_dim3A_342 = vector.broadcast %jit3A_341 : f32 to vector<80x10000xf32>
    %select_n3A_343 = arith.select %eq3A_340, %broadcast_in_dim3A_342, %select_n3A_327 : vector<80x10000xi1>, vector<80x10000xf32>
    %reduce_max3A_344 = arith.constant dense<0xFF800000> : vector<80xf32>
    %reduce_max3A_345 = vector.multi_reduction <maximumf>, %select_n3A_343, %reduce_max3A_344 [1] : vector<80x10000xf32> to vector<80xf32>
    %broadcast_in_dim3A_346 = vector.shape_cast %reduce_max3A_345 : vector<80xf32> to vector<80x1xf32>
    %eq3A_347 = vector.broadcast %broadcast_in_dim3A_346 : vector<80x1xf32> to vector<80x10000xf32>
    %eq3A_348 = arith.cmpf oeq, %select_n3A_343, %eq3A_347 : vector<80x10000xf32>
    %jit3A_349 = arith.constant 10000 : i32
    %broadcast_in_dim3A_350 = vector.broadcast %jit3A_349 : i32 to vector<80x10000xi32>
    %select_n3A_351 = arith.select %eq3A_348, %iota3A, %broadcast_in_dim3A_350 : vector<80x10000xi1>, vector<80x10000xi32>
    %reduce_min3A_352 = arith.constant dense<2147483647> : vector<80xi32>
    %reduce_min3A_353 = vector.multi_reduction <minsi>, %select_n3A_351, %reduce_min3A_352 [1] : vector<80x10000xi32> to vector<80xi32>
    %broadcast_in_dim3A_354 = vector.shape_cast %reduce_min3A_353 : vector<80xi32> to vector<80x1xi32>
    %eq3A_355 = vector.broadcast %broadcast_in_dim3A_354 : vector<80x1xi32> to vector<80x10000xi32>
    %eq3A_356 = arith.cmpi eq, %iota3A, %eq3A_355 : vector<80x10000xi32>
    %jit3A_357 = arith.constant 0xFF800000 : f32
    %broadcast_in_dim3A_358 = vector.broadcast %jit3A_357 : f32 to vector<80x10000xf32>
    %select_n3A_359 = arith.select %eq3A_356, %broadcast_in_dim3A_358, %select_n3A_343 : vector<80x10000xi1>, vector<80x10000xf32>
    %reduce_max3A_360 = arith.constant dense<0xFF800000> : vector<80xf32>
    %reduce_max3A_361 = vector.multi_reduction <maximumf>, %select_n3A_359, %reduce_max3A_360 [1] : vector<80x10000xf32> to vector<80xf32>
    %broadcast_in_dim3A_362 = vector.shape_cast %reduce_max3A_361 : vector<80xf32> to vector<80x1xf32>
    %eq3A_363 = vector.broadcast %broadcast_in_dim3A_362 : vector<80x1xf32> to vector<80x10000xf32>
    %eq3A_364 = arith.cmpf oeq, %select_n3A_359, %eq3A_363 : vector<80x10000xf32>
    %jit3A_365 = arith.constant 10000 : i32
    %broadcast_in_dim3A_366 = vector.broadcast %jit3A_365 : i32 to vector<80x10000xi32>
    %select_n3A_367 = arith.select %eq3A_364, %iota3A, %broadcast_in_dim3A_366 : vector<80x10000xi1>, vector<80x10000xi32>
    %reduce_min3A_368 = arith.constant dense<2147483647> : vector<80xi32>
    %reduce_min3A_369 = vector.multi_reduction <minsi>, %select_n3A_367, %reduce_min3A_368 [1] : vector<80x10000xi32> to vector<80xi32>
    %broadcast_in_dim3A_370 = vector.shape_cast %reduce_min3A_369 : vector<80xi32> to vector<80x1xi32>
    %eq3A_371 = vector.broadcast %broadcast_in_dim3A_370 : vector<80x1xi32> to vector<80x10000xi32>
    %eq3A_372 = arith.cmpi eq, %iota3A, %eq3A_371 : vector<80x10000xi32>
    %jit3A_373 = arith.constant 0xFF800000 : f32
    %broadcast_in_dim3A_374 = vector.broadcast %jit3A_373 : f32 to vector<80x10000xf32>
    %select_n3A_375 = arith.select %eq3A_372, %broadcast_in_dim3A_374, %select_n3A_359 : vector<80x10000xi1>, vector<80x10000xf32>
    %reduce_max3A_376 = arith.constant dense<0xFF800000> : vector<80xf32>
    %reduce_max3A_377 = vector.multi_reduction <maximumf>, %select_n3A_375, %reduce_max3A_376 [1] : vector<80x10000xf32> to vector<80xf32>
    %broadcast_in_dim3A_378 = vector.shape_cast %reduce_max3A_377 : vector<80xf32> to vector<80x1xf32>
    %eq3A_379 = vector.broadcast %broadcast_in_dim3A_378 : vector<80x1xf32> to vector<80x10000xf32>
    %eq3A_380 = arith.cmpf oeq, %select_n3A_375, %eq3A_379 : vector<80x10000xf32>
    %jit3A_381 = arith.constant 10000 : i32
    %broadcast_in_dim3A_382 = vector.broadcast %jit3A_381 : i32 to vector<80x10000xi32>
    %select_n3A_383 = arith.select %eq3A_380, %iota3A, %broadcast_in_dim3A_382 : vector<80x10000xi1>, vector<80x10000xi32>
    %reduce_min3A_384 = arith.constant dense<2147483647> : vector<80xi32>
    %reduce_min3A_385 = vector.multi_reduction <minsi>, %select_n3A_383, %reduce_min3A_384 [1] : vector<80x10000xi32> to vector<80xi32>
    %broadcast_in_dim3A_386 = vector.shape_cast %reduce_min3A_385 : vector<80xi32> to vector<80x1xi32>
    %eq3A_387 = vector.broadcast %broadcast_in_dim3A_386 : vector<80x1xi32> to vector<80x10000xi32>
    %eq3A_388 = arith.cmpi eq, %iota3A, %eq3A_387 : vector<80x10000xi32>
    %jit3A_389 = arith.constant 0xFF800000 : f32
    %broadcast_in_dim3A_390 = vector.broadcast %jit3A_389 : f32 to vector<80x10000xf32>
    %select_n3A_391 = arith.select %eq3A_388, %broadcast_in_dim3A_390, %select_n3A_375 : vector<80x10000xi1>, vector<80x10000xf32>
    %reduce_max3A_392 = arith.constant dense<0xFF800000> : vector<80xf32>
    %reduce_max3A_393 = vector.multi_reduction <maximumf>, %select_n3A_391, %reduce_max3A_392 [1] : vector<80x10000xf32> to vector<80xf32>
    %broadcast_in_dim3A_394 = vector.shape_cast %reduce_max3A_393 : vector<80xf32> to vector<80x1xf32>
    %eq3A_395 = vector.broadcast %broadcast_in_dim3A_394 : vector<80x1xf32> to vector<80x10000xf32>
    %eq3A_396 = arith.cmpf oeq, %select_n3A_391, %eq3A_395 : vector<80x10000xf32>
    %jit3A_397 = arith.constant 10000 : i32
    %broadcast_in_dim3A_398 = vector.broadcast %jit3A_397 : i32 to vector<80x10000xi32>
    %select_n3A_399 = arith.select %eq3A_396, %iota3A, %broadcast_in_dim3A_398 : vector<80x10000xi1>, vector<80x10000xi32>
    %reduce_min3A_400 = arith.constant dense<2147483647> : vector<80xi32>
    %reduce_min3A_401 = vector.multi_reduction <minsi>, %select_n3A_399, %reduce_min3A_400 [1] : vector<80x10000xi32> to vector<80xi32>
    %broadcast_in_dim3A_402 = vector.shape_cast %reduce_min3A_401 : vector<80xi32> to vector<80x1xi32>
    %eq3A_403 = vector.broadcast %broadcast_in_dim3A_402 : vector<80x1xi32> to vector<80x10000xi32>
    %eq3A_404 = arith.cmpi eq, %iota3A, %eq3A_403 : vector<80x10000xi32>
    %jit3A_405 = arith.constant 0xFF800000 : f32
    %broadcast_in_dim3A_406 = vector.broadcast %jit3A_405 : f32 to vector<80x10000xf32>
    %select_n3A_407 = arith.select %eq3A_404, %broadcast_in_dim3A_406, %select_n3A_391 : vector<80x10000xi1>, vector<80x10000xf32>
    %reduce_max3A_408 = arith.constant dense<0xFF800000> : vector<80xf32>
    %reduce_max3A_409 = vector.multi_reduction <maximumf>, %select_n3A_407, %reduce_max3A_408 [1] : vector<80x10000xf32> to vector<80xf32>
    %broadcast_in_dim3A_410 = vector.shape_cast %reduce_max3A_409 : vector<80xf32> to vector<80x1xf32>
    %eq3A_411 = vector.broadcast %broadcast_in_dim3A_410 : vector<80x1xf32> to vector<80x10000xf32>
    %eq3A_412 = arith.cmpf oeq, %select_n3A_407, %eq3A_411 : vector<80x10000xf32>
    %jit3A_413 = arith.constant 10000 : i32
    %broadcast_in_dim3A_414 = vector.broadcast %jit3A_413 : i32 to vector<80x10000xi32>
    %select_n3A_415 = arith.select %eq3A_412, %iota3A, %broadcast_in_dim3A_414 : vector<80x10000xi1>, vector<80x10000xi32>
    %reduce_min3A_416 = arith.constant dense<2147483647> : vector<80xi32>
    %reduce_min3A_417 = vector.multi_reduction <minsi>, %select_n3A_415, %reduce_min3A_416 [1] : vector<80x10000xi32> to vector<80xi32>
    %broadcast_in_dim3A_418 = vector.shape_cast %reduce_min3A_417 : vector<80xi32> to vector<80x1xi32>
    %eq3A_419 = vector.broadcast %broadcast_in_dim3A_418 : vector<80x1xi32> to vector<80x10000xi32>
    %eq3A_420 = arith.cmpi eq, %iota3A, %eq3A_419 : vector<80x10000xi32>
    %jit3A_421 = arith.constant 0xFF800000 : f32
    %broadcast_in_dim3A_422 = vector.broadcast %jit3A_421 : f32 to vector<80x10000xf32>
    %select_n3A_423 = arith.select %eq3A_420, %broadcast_in_dim3A_422, %select_n3A_407 : vector<80x10000xi1>, vector<80x10000xf32>
    %reduce_max3A_424 = arith.constant dense<0xFF800000> : vector<80xf32>
    %reduce_max3A_425 = vector.multi_reduction <maximumf>, %select_n3A_423, %reduce_max3A_424 [1] : vector<80x10000xf32> to vector<80xf32>
    %broadcast_in_dim3A_426 = vector.shape_cast %reduce_max3A_425 : vector<80xf32> to vector<80x1xf32>
    %eq3A_427 = vector.broadcast %broadcast_in_dim3A_426 : vector<80x1xf32> to vector<80x10000xf32>
    %eq3A_428 = arith.cmpf oeq, %select_n3A_423, %eq3A_427 : vector<80x10000xf32>
    %jit3A_429 = arith.constant 10000 : i32
    %broadcast_in_dim3A_430 = vector.broadcast %jit3A_429 : i32 to vector<80x10000xi32>
    %select_n3A_431 = arith.select %eq3A_428, %iota3A, %broadcast_in_dim3A_430 : vector<80x10000xi1>, vector<80x10000xi32>
    %reduce_min3A_432 = arith.constant dense<2147483647> : vector<80xi32>
    %reduce_min3A_433 = vector.multi_reduction <minsi>, %select_n3A_431, %reduce_min3A_432 [1] : vector<80x10000xi32> to vector<80xi32>
    %broadcast_in_dim3A_434 = vector.shape_cast %reduce_min3A_433 : vector<80xi32> to vector<80x1xi32>
    %eq3A_435 = vector.broadcast %broadcast_in_dim3A_434 : vector<80x1xi32> to vector<80x10000xi32>
    %eq3A_436 = arith.cmpi eq, %iota3A, %eq3A_435 : vector<80x10000xi32>
    %jit3A_437 = arith.constant 0xFF800000 : f32
    %broadcast_in_dim3A_438 = vector.broadcast %jit3A_437 : f32 to vector<80x10000xf32>
    %select_n3A_439 = arith.select %eq3A_436, %broadcast_in_dim3A_438, %select_n3A_423 : vector<80x10000xi1>, vector<80x10000xf32>
    %reduce_max3A_440 = arith.constant dense<0xFF800000> : vector<80xf32>
    %reduce_max3A_441 = vector.multi_reduction <maximumf>, %select_n3A_439, %reduce_max3A_440 [1] : vector<80x10000xf32> to vector<80xf32>
    %broadcast_in_dim3A_442 = vector.shape_cast %reduce_max3A_441 : vector<80xf32> to vector<80x1xf32>
    %eq3A_443 = vector.broadcast %broadcast_in_dim3A_442 : vector<80x1xf32> to vector<80x10000xf32>
    %eq3A_444 = arith.cmpf oeq, %select_n3A_439, %eq3A_443 : vector<80x10000xf32>
    %jit3A_445 = arith.constant 10000 : i32
    %broadcast_in_dim3A_446 = vector.broadcast %jit3A_445 : i32 to vector<80x10000xi32>
    %select_n3A_447 = arith.select %eq3A_444, %iota3A, %broadcast_in_dim3A_446 : vector<80x10000xi1>, vector<80x10000xi32>
    %reduce_min3A_448 = arith.constant dense<2147483647> : vector<80xi32>
    %reduce_min3A_449 = vector.multi_reduction <minsi>, %select_n3A_447, %reduce_min3A_448 [1] : vector<80x10000xi32> to vector<80xi32>
    %broadcast_in_dim3A_450 = vector.shape_cast %reduce_min3A_449 : vector<80xi32> to vector<80x1xi32>
    %eq3A_451 = vector.broadcast %broadcast_in_dim3A_450 : vector<80x1xi32> to vector<80x10000xi32>
    %eq3A_452 = arith.cmpi eq, %iota3A, %eq3A_451 : vector<80x10000xi32>
    %jit3A_453 = arith.constant 0xFF800000 : f32
    %broadcast_in_dim3A_454 = vector.broadcast %jit3A_453 : f32 to vector<80x10000xf32>
    %select_n3A_455 = arith.select %eq3A_452, %broadcast_in_dim3A_454, %select_n3A_439 : vector<80x10000xi1>, vector<80x10000xf32>
    %reduce_max3A_456 = arith.constant dense<0xFF800000> : vector<80xf32>
    %reduce_max3A_457 = vector.multi_reduction <maximumf>, %select_n3A_455, %reduce_max3A_456 [1] : vector<80x10000xf32> to vector<80xf32>
    %broadcast_in_dim3A_458 = vector.shape_cast %reduce_max3A_457 : vector<80xf32> to vector<80x1xf32>
    %eq3A_459 = vector.broadcast %broadcast_in_dim3A_458 : vector<80x1xf32> to vector<80x10000xf32>
    %eq3A_460 = arith.cmpf oeq, %select_n3A_455, %eq3A_459 : vector<80x10000xf32>
    %jit3A_461 = arith.constant 10000 : i32
    %broadcast_in_dim3A_462 = vector.broadcast %jit3A_461 : i32 to vector<80x10000xi32>
    %select_n3A_463 = arith.select %eq3A_460, %iota3A, %broadcast_in_dim3A_462 : vector<80x10000xi1>, vector<80x10000xi32>
    %reduce_min3A_464 = arith.constant dense<2147483647> : vector<80xi32>
    %reduce_min3A_465 = vector.multi_reduction <minsi>, %select_n3A_463, %reduce_min3A_464 [1] : vector<80x10000xi32> to vector<80xi32>
    %broadcast_in_dim3A_466 = vector.shape_cast %reduce_min3A_465 : vector<80xi32> to vector<80x1xi32>
    %eq3A_467 = vector.broadcast %broadcast_in_dim3A_466 : vector<80x1xi32> to vector<80x10000xi32>
    %eq3A_468 = arith.cmpi eq, %iota3A, %eq3A_467 : vector<80x10000xi32>
    %jit3A_469 = arith.constant 0xFF800000 : f32
    %broadcast_in_dim3A_470 = vector.broadcast %jit3A_469 : f32 to vector<80x10000xf32>
    %select_n3A_471 = arith.select %eq3A_468, %broadcast_in_dim3A_470, %select_n3A_455 : vector<80x10000xi1>, vector<80x10000xf32>
    %reduce_max3A_472 = arith.constant dense<0xFF800000> : vector<80xf32>
    %reduce_max3A_473 = vector.multi_reduction <maximumf>, %select_n3A_471, %reduce_max3A_472 [1] : vector<80x10000xf32> to vector<80xf32>
    %broadcast_in_dim3A_474 = vector.shape_cast %reduce_max3A_473 : vector<80xf32> to vector<80x1xf32>
    %eq3A_475 = vector.broadcast %broadcast_in_dim3A_474 : vector<80x1xf32> to vector<80x10000xf32>
    %eq3A_476 = arith.cmpf oeq, %select_n3A_471, %eq3A_475 : vector<80x10000xf32>
    %jit3A_477 = arith.constant 10000 : i32
    %broadcast_in_dim3A_478 = vector.broadcast %jit3A_477 : i32 to vector<80x10000xi32>
    %select_n3A_479 = arith.select %eq3A_476, %iota3A, %broadcast_in_dim3A_478 : vector<80x10000xi1>, vector<80x10000xi32>
    %reduce_min3A_480 = arith.constant dense<2147483647> : vector<80xi32>
    %reduce_min3A_481 = vector.multi_reduction <minsi>, %select_n3A_479, %reduce_min3A_480 [1] : vector<80x10000xi32> to vector<80xi32>
    %broadcast_in_dim3A_482 = vector.shape_cast %reduce_min3A_481 : vector<80xi32> to vector<80x1xi32>
    %eq3A_483 = vector.broadcast %broadcast_in_dim3A_482 : vector<80x1xi32> to vector<80x10000xi32>
    %eq3A_484 = arith.cmpi eq, %iota3A, %eq3A_483 : vector<80x10000xi32>
    %jit3A_485 = arith.constant 0xFF800000 : f32
    %broadcast_in_dim3A_486 = vector.broadcast %jit3A_485 : f32 to vector<80x10000xf32>
    %select_n3A_487 = arith.select %eq3A_484, %broadcast_in_dim3A_486, %select_n3A_471 : vector<80x10000xi1>, vector<80x10000xf32>
    %reduce_max3A_488 = arith.constant dense<0xFF800000> : vector<80xf32>
    %reduce_max3A_489 = vector.multi_reduction <maximumf>, %select_n3A_487, %reduce_max3A_488 [1] : vector<80x10000xf32> to vector<80xf32>
    %broadcast_in_dim3A_490 = vector.shape_cast %reduce_max3A_489 : vector<80xf32> to vector<80x1xf32>
    %eq3A_491 = vector.broadcast %broadcast_in_dim3A_490 : vector<80x1xf32> to vector<80x10000xf32>
    %eq3A_492 = arith.cmpf oeq, %select_n3A_487, %eq3A_491 : vector<80x10000xf32>
    %jit3A_493 = arith.constant 10000 : i32
    %broadcast_in_dim3A_494 = vector.broadcast %jit3A_493 : i32 to vector<80x10000xi32>
    %select_n3A_495 = arith.select %eq3A_492, %iota3A, %broadcast_in_dim3A_494 : vector<80x10000xi1>, vector<80x10000xi32>
    %reduce_min3A_496 = arith.constant dense<2147483647> : vector<80xi32>
    %reduce_min3A_497 = vector.multi_reduction <minsi>, %select_n3A_495, %reduce_min3A_496 [1] : vector<80x10000xi32> to vector<80xi32>
    %broadcast_in_dim3A_498 = vector.shape_cast %reduce_min3A_497 : vector<80xi32> to vector<80x1xi32>
    %eq3A_499 = vector.broadcast %broadcast_in_dim3A_498 : vector<80x1xi32> to vector<80x10000xi32>
    %eq3A_500 = arith.cmpi eq, %iota3A, %eq3A_499 : vector<80x10000xi32>
    %jit3A_501 = arith.constant 0xFF800000 : f32
    %broadcast_in_dim3A_502 = vector.broadcast %jit3A_501 : f32 to vector<80x10000xf32>
    %select_n3A_503 = arith.select %eq3A_500, %broadcast_in_dim3A_502, %select_n3A_487 : vector<80x10000xi1>, vector<80x10000xf32>
    %reduce_max3A_504 = arith.constant dense<0xFF800000> : vector<80xf32>
    %reduce_max3A_505 = vector.multi_reduction <maximumf>, %select_n3A_503, %reduce_max3A_504 [1] : vector<80x10000xf32> to vector<80xf32>
    %broadcast_in_dim3A_506 = vector.shape_cast %reduce_max3A_505 : vector<80xf32> to vector<80x1xf32>
    %eq3A_507 = vector.broadcast %broadcast_in_dim3A_506 : vector<80x1xf32> to vector<80x10000xf32>
    %eq3A_508 = arith.cmpf oeq, %select_n3A_503, %eq3A_507 : vector<80x10000xf32>
    %jit3A_509 = arith.constant 10000 : i32
    %broadcast_in_dim3A_510 = vector.broadcast %jit3A_509 : i32 to vector<80x10000xi32>
    %select_n3A_511 = arith.select %eq3A_508, %iota3A, %broadcast_in_dim3A_510 : vector<80x10000xi1>, vector<80x10000xi32>
    %reduce_min3A_512 = arith.constant dense<2147483647> : vector<80xi32>
    %reduce_min3A_513 = vector.multi_reduction <minsi>, %select_n3A_511, %reduce_min3A_512 [1] : vector<80x10000xi32> to vector<80xi32>
    %broadcast_in_dim3A_514 = vector.shape_cast %reduce_min3A_513 : vector<80xi32> to vector<80x1xi32>
    %eq3A_515 = vector.broadcast %broadcast_in_dim3A_514 : vector<80x1xi32> to vector<80x10000xi32>
    %eq3A_516 = arith.cmpi eq, %iota3A, %eq3A_515 : vector<80x10000xi32>
    %jit3A_517 = arith.constant 0xFF800000 : f32
    %broadcast_in_dim3A_518 = vector.broadcast %jit3A_517 : f32 to vector<80x10000xf32>
    %select_n3A_519 = arith.select %eq3A_516, %broadcast_in_dim3A_518, %select_n3A_503 : vector<80x10000xi1>, vector<80x10000xf32>
    %concatenate3A = tpu.concatenate %broadcast_in_dim3A_274, %broadcast_in_dim3A_290, %broadcast_in_dim3A_306, %broadcast_in_dim3A_322, %broadcast_in_dim3A_338, %broadcast_in_dim3A_354, %broadcast_in_dim3A_370, %broadcast_in_dim3A_386, %broadcast_in_dim3A_402, %broadcast_in_dim3A_418, %broadcast_in_dim3A_434, %broadcast_in_dim3A_450, %broadcast_in_dim3A_466, %broadcast_in_dim3A_482, %broadcast_in_dim3A_498, %broadcast_in_dim3A_514 in 1 : vector<80x1xi32>, vector<80x1xi32>, vector<80x1xi32>, vector<80x1xi32>, vector<80x1xi32>, vector<80x1xi32>, vector<80x1xi32>, vector<80x1xi32>, vector<80x1xi32>, vector<80x1xi32>, vector<80x1xi32>, vector<80x1xi32>, vector<80x1xi32>, vector<80x1xi32>, vector<80x1xi32>, vector<80x1xi32> -> vector<80x16xi32>
    %concatenate3A_520 = tpu.concatenate %broadcast_in_dim3A_270, %broadcast_in_dim3A_282, %broadcast_in_dim3A_298, %broadcast_in_dim3A_314, %broadcast_in_dim3A_330, %broadcast_in_dim3A_346, %broadcast_in_dim3A_362, %broadcast_in_dim3A_378, %broadcast_in_dim3A_394, %broadcast_in_dim3A_410, %broadcast_in_dim3A_426, %broadcast_in_dim3A_442, %broadcast_in_dim3A_458, %broadcast_in_dim3A_474, %broadcast_in_dim3A_490, %broadcast_in_dim3A_506 in 1 : vector<80x1xf32>, vector<80x1xf32>, vector<80x1xf32>, vector<80x1xf32>, vector<80x1xf32>, vector<80x1xf32>, vector<80x1xf32>, vector<80x1xf32>, vector<80x1xf32>, vector<80x1xf32>, vector<80x1xf32>, vector<80x1xf32>, vector<80x1xf32>, vector<80x1xf32>, vector<80x1xf32>, vector<80x1xf32> -> vector<80x16xf32>
    %eq3A_521 = arith.constant 0xFF800000 : f32
    %eq3A_522 = vector.broadcast %eq3A_521 : f32 to vector<80x10000xf32>
    %eq3A_523 = arith.cmpf oeq, %select_n3A_519, %eq3A_522 : vector<80x10000xf32>
    %eq3A_524 = vector.broadcast %add3A_2 : vector<80x1xi32> to vector<80x10000xi32>
    %eq3A_525 = arith.cmpi eq, %iota3A, %eq3A_524 : vector<80x10000xi32>
    %convert_element_type3A = arith.extui %eq3A_525 : vector<80x10000xi1> to vector<80x10000xi32>
    %convert_element_type3A_526 = arith.sitofp %convert_element_type3A : vector<80x10000xi32> to vector<80x10000xf32>
    %jit3A_527 = arith.constant 0.000000e+00 : f32
    %broadcast_in_dim3A_528 = vector.broadcast %jit3A_527 : f32 to vector<80x10000xf32>
    %select_n3A_529 = arith.select %eq3A_523, %max3A_21, %broadcast_in_dim3A_528 : vector<80x10000xi1>, vector<80x10000xf32>
    %add3A_530 = arith.addf %select_n3A_529, %convert_element_type3A_526 : vector<80x10000xf32>
    %swap3A = arith.constant 0 : index
    %swap3A_531 = arith.constant 0 : index
    %swap3A_532 = vector.load %arg5[%swap3A, %swap3A_531] : memref<80x10000xf32, #tpu.memory_space<vmem>>, vector<80x10000xf32>
    tpu.vector_store %arg5[%swap3A, %swap3A_531], %add3A_530 {strides = array<i32>} : memref<80x10000xf32, #tpu.memory_space<vmem>>, vector<80x10000xf32>,
    %mul3A_533 = arith.constant 10000 : i32
    %mul3A_534 = vector.broadcast %mul3A_533 : i32 to vector<80x1xi32>
    %mul3A_535 = arith.muli %add3A_2, %mul3A_534 : vector<80x1xi32>
    %add3A_536 = vector.broadcast %mul3A_535 : vector<80x1xi32> to vector<80x16xi32>
    %add3A_537 = arith.addi %add3A_536, %concatenate3A : vector<80x16xi32>
    %broadcast_in_dim3A_538 = arith.constant 0 : i32
    %broadcast_in_dim3A_539 = vector.broadcast %broadcast_in_dim3A_538 : i32 to vector<80x16xi32>
    %add3A_540 = arith.constant 0 : i32
    %add3A_541 = vector.broadcast %add3A_540 : i32 to vector<80x16xi32>
    %add3A_542 = arith.addi %broadcast_in_dim3A_539, %add3A_541 : vector<80x16xi32>
    %add3A_543 = arith.constant 1 : i32
    %add3A_544 = vector.broadcast %add3A_543 : i32 to vector<80x16xi32>
    %add3A_545 = arith.addi %add3A_537, %add3A_544 : vector<80x16xi32>
    %add3A_546 = arith.addi %add3A_542, %add3A_545 : vector<80x16xi32>
    %shift_left3A_547 = arith.constant 13 : i32
    %shift_left3A_548 = vector.broadcast %shift_left3A_547 : i32 to vector<80x16xi32>
    %shift_left3A_549 = arith.shli %add3A_545, %shift_left3A_548 : vector<80x16xi32>
    %shift_right_logical3A_550 = arith.constant 19 : i32
    %shift_right_logical3A_551 = vector.broadcast %shift_right_logical3A_550 : i32 to vector<80x16xi32>
    %shift_right_logical3A_552 = arith.shrui %add3A_545, %shift_right_logical3A_551 : vector<80x16xi32>
    %or3A_553 = arith.ori %shift_left3A_549, %shift_right_logical3A_552 : vector<80x16xi32>
    %xor3A_554 = arith.xori %add3A_546, %or3A_553 : vector<80x16xi32>
    %add3A_555 = arith.addi %add3A_546, %xor3A_554 : vector<80x16xi32>
    %shift_left3A_556 = arith.constant 15 : i32
    %shift_left3A_557 = vector.broadcast %shift_left3A_556 : i32 to vector<80x16xi32>
    %shift_left3A_558 = arith.shli %xor3A_554, %shift_left3A_557 : vector<80x16xi32>
    %shift_right_logical3A_559 = arith.constant 17 : i32
    %shift_right_logical3A_560 = vector.broadcast %shift_right_logical3A_559 : i32 to vector<80x16xi32>
    %shift_right_logical3A_561 = arith.shrui %xor3A_554, %shift_right_logical3A_560 : vector<80x16xi32>
    %or3A_562 = arith.ori %shift_left3A_558, %shift_right_logical3A_561 : vector<80x16xi32>
    %xor3A_563 = arith.xori %add3A_555, %or3A_562 : vector<80x16xi32>
    %add3A_564 = arith.addi %add3A_555, %xor3A_563 : vector<80x16xi32>
    %shift_left3A_565 = arith.constant 26 : i32
    %shift_left3A_566 = vector.broadcast %shift_left3A_565 : i32 to vector<80x16xi32>
    %shift_left3A_567 = arith.shli %xor3A_563, %shift_left3A_566 : vector<80x16xi32>
    %shift_right_logical3A_568 = arith.constant 6 : i32
    %shift_right_logical3A_569 = vector.broadcast %shift_right_logical3A_568 : i32 to vector<80x16xi32>
    %shift_right_logical3A_570 = arith.shrui %xor3A_563, %shift_right_logical3A_569 : vector<80x16xi32>
    %or3A_571 = arith.ori %shift_left3A_567, %shift_right_logical3A_570 : vector<80x16xi32>
    %xor3A_572 = arith.xori %add3A_564, %or3A_571 : vector<80x16xi32>
    %add3A_573 = arith.addi %add3A_564, %xor3A_572 : vector<80x16xi32>
    %shift_left3A_574 = arith.constant 6 : i32
    %shift_left3A_575 = vector.broadcast %shift_left3A_574 : i32 to vector<80x16xi32>
    %shift_left3A_576 = arith.shli %xor3A_572, %shift_left3A_575 : vector<80x16xi32>
    %shift_right_logical3A_577 = arith.constant 26 : i32
    %shift_right_logical3A_578 = vector.broadcast %shift_right_logical3A_577 : i32 to vector<80x16xi32>
    %shift_right_logical3A_579 = arith.shrui %xor3A_572, %shift_right_logical3A_578 : vector<80x16xi32>
    %or3A_580 = arith.ori %shift_left3A_576, %shift_right_logical3A_579 : vector<80x16xi32>
    %xor3A_581 = arith.xori %add3A_573, %or3A_580 : vector<80x16xi32>
    %add3A_582 = arith.constant 1 : i32
    %add3A_583 = vector.broadcast %add3A_582 : i32 to vector<80x16xi32>
    %add3A_584 = arith.addi %add3A_573, %add3A_583 : vector<80x16xi32>
    %add3A_585 = arith.constant 466688987 : i32
    %add3A_586 = vector.broadcast %add3A_585 : i32 to vector<80x16xi32>
    %add3A_587 = arith.addi %xor3A_581, %add3A_586 : vector<80x16xi32>
    %add3A_588 = arith.constant 1 : i32
    %add3A_589 = vector.broadcast %add3A_588 : i32 to vector<80x16xi32>
    %add3A_590 = arith.addi %add3A_587, %add3A_589 : vector<80x16xi32>
    %add3A_591 = arith.addi %add3A_584, %add3A_590 : vector<80x16xi32>
    %shift_left3A_592 = arith.constant 17 : i32
    %shift_left3A_593 = vector.broadcast %shift_left3A_592 : i32 to vector<80x16xi32>
    %shift_left3A_594 = arith.shli %add3A_590, %shift_left3A_593 : vector<80x16xi32>
    %shift_right_logical3A_595 = arith.constant 15 : i32
    %shift_right_logical3A_596 = vector.broadcast %shift_right_logical3A_595 : i32 to vector<80x16xi32>
    %shift_right_logical3A_597 = arith.shrui %add3A_590, %shift_right_logical3A_596 : vector<80x16xi32>
    %or3A_598 = arith.ori %shift_left3A_594, %shift_right_logical3A_597 : vector<80x16xi32>
    %xor3A_599 = arith.xori %add3A_591, %or3A_598 : vector<80x16xi32>
    %add3A_600 = arith.addi %add3A_591, %xor3A_599 : vector<80x16xi32>
    %shift_left3A_601 = arith.constant 29 : i32
    %shift_left3A_602 = vector.broadcast %shift_left3A_601 : i32 to vector<80x16xi32>
    %shift_left3A_603 = arith.shli %xor3A_599, %shift_left3A_602 : vector<80x16xi32>
    %shift_right_logical3A_604 = arith.constant 3 : i32
    %shift_right_logical3A_605 = vector.broadcast %shift_right_logical3A_604 : i32 to vector<80x16xi32>
    %shift_right_logical3A_606 = arith.shrui %xor3A_599, %shift_right_logical3A_605 : vector<80x16xi32>
    %or3A_607 = arith.ori %shift_left3A_603, %shift_right_logical3A_606 : vector<80x16xi32>
    %xor3A_608 = arith.xori %add3A_600, %or3A_607 : vector<80x16xi32>
    %add3A_609 = arith.addi %add3A_600, %xor3A_608 : vector<80x16xi32>
    %shift_left3A_610 = arith.constant 16 : i32
    %shift_left3A_611 = vector.broadcast %shift_left3A_610 : i32 to vector<80x16xi32>
    %shift_left3A_612 = arith.shli %xor3A_608, %shift_left3A_611 : vector<80x16xi32>
    %shift_right_logical3A_613 = arith.constant 16 : i32
    %shift_right_logical3A_614 = vector.broadcast %shift_right_logical3A_613 : i32 to vector<80x16xi32>
    %shift_right_logical3A_615 = arith.shrui %xor3A_608, %shift_right_logical3A_614 : vector<80x16xi32>
    %or3A_616 = arith.ori %shift_left3A_612, %shift_right_logical3A_615 : vector<80x16xi32>
    %xor3A_617 = arith.xori %add3A_609, %or3A_616 : vector<80x16xi32>
    %add3A_618 = arith.addi %add3A_609, %xor3A_617 : vector<80x16xi32>
    %shift_left3A_619 = arith.constant 24 : i32
    %shift_left3A_620 = vector.broadcast %shift_left3A_619 : i32 to vector<80x16xi32>
    %shift_left3A_621 = arith.shli %xor3A_617, %shift_left3A_620 : vector<80x16xi32>
    %shift_right_logical3A_622 = arith.constant 8 : i32
    %shift_right_logical3A_623 = vector.broadcast %shift_right_logical3A_622 : i32 to vector<80x16xi32>
    %shift_right_logical3A_624 = arith.shrui %xor3A_617, %shift_right_logical3A_623 : vector<80x16xi32>
    %or3A_625 = arith.ori %shift_left3A_621, %shift_right_logical3A_624 : vector<80x16xi32>
    %xor3A_626 = arith.xori %add3A_618, %or3A_625 : vector<80x16xi32>
    %add3A_627 = arith.constant 466688987 : i32
    %add3A_628 = vector.broadcast %add3A_627 : i32 to vector<80x16xi32>
    %add3A_629 = arith.addi %add3A_618, %add3A_628 : vector<80x16xi32>
    %add3A_630 = arith.constant 0 : i32
    %add3A_631 = vector.broadcast %add3A_630 : i32 to vector<80x16xi32>
    %add3A_632 = arith.addi %xor3A_626, %add3A_631 : vector<80x16xi32>
    %add3A_633 = arith.constant 2 : i32
    %add3A_634 = vector.broadcast %add3A_633 : i32 to vector<80x16xi32>
    %add3A_635 = arith.addi %add3A_632, %add3A_634 : vector<80x16xi32>
    %add3A_636 = arith.addi %add3A_629, %add3A_635 : vector<80x16xi32>
    %shift_left3A_637 = arith.constant 13 : i32
    %shift_left3A_638 = vector.broadcast %shift_left3A_637 : i32 to vector<80x16xi32>
    %shift_left3A_639 = arith.shli %add3A_635, %shift_left3A_638 : vector<80x16xi32>
    %shift_right_logical3A_640 = arith.constant 19 : i32
    %shift_right_logical3A_641 = vector.broadcast %shift_right_logical3A_640 : i32 to vector<80x16xi32>
    %shift_right_logical3A_642 = arith.shrui %add3A_635, %shift_right_logical3A_641 : vector<80x16xi32>
    %or3A_643 = arith.ori %shift_left3A_639, %shift_right_logical3A_642 : vector<80x16xi32>
    %xor3A_644 = arith.xori %add3A_636, %or3A_643 : vector<80x16xi32>
    %add3A_645 = arith.addi %add3A_636, %xor3A_644 : vector<80x16xi32>
    %shift_left3A_646 = arith.constant 15 : i32
    %shift_left3A_647 = vector.broadcast %shift_left3A_646 : i32 to vector<80x16xi32>
    %shift_left3A_648 = arith.shli %xor3A_644, %shift_left3A_647 : vector<80x16xi32>
    %shift_right_logical3A_649 = arith.constant 17 : i32
    %shift_right_logical3A_650 = vector.broadcast %shift_right_logical3A_649 : i32 to vector<80x16xi32>
    %shift_right_logical3A_651 = arith.shrui %xor3A_644, %shift_right_logical3A_650 : vector<80x16xi32>
    %or3A_652 = arith.ori %shift_left3A_648, %shift_right_logical3A_651 : vector<80x16xi32>
    %xor3A_653 = arith.xori %add3A_645, %or3A_652 : vector<80x16xi32>
    %add3A_654 = arith.addi %add3A_645, %xor3A_653 : vector<80x16xi32>
    %shift_left3A_655 = arith.constant 26 : i32
    %shift_left3A_656 = vector.broadcast %shift_left3A_655 : i32 to vector<80x16xi32>
    %shift_left3A_657 = arith.shli %xor3A_653, %shift_left3A_656 : vector<80x16xi32>
    %shift_right_logical3A_658 = arith.constant 6 : i32
    %shift_right_logical3A_659 = vector.broadcast %shift_right_logical3A_658 : i32 to vector<80x16xi32>
    %shift_right_logical3A_660 = arith.shrui %xor3A_653, %shift_right_logical3A_659 : vector<80x16xi32>
    %or3A_661 = arith.ori %shift_left3A_657, %shift_right_logical3A_660 : vector<80x16xi32>
    %xor3A_662 = arith.xori %add3A_654, %or3A_661 : vector<80x16xi32>
    %add3A_663 = arith.addi %add3A_654, %xor3A_662 : vector<80x16xi32>
    %shift_left3A_664 = arith.constant 6 : i32
    %shift_left3A_665 = vector.broadcast %shift_left3A_664 : i32 to vector<80x16xi32>
    %shift_left3A_666 = arith.shli %xor3A_662, %shift_left3A_665 : vector<80x16xi32>
    %shift_right_logical3A_667 = arith.constant 26 : i32
    %shift_right_logical3A_668 = vector.broadcast %shift_right_logical3A_667 : i32 to vector<80x16xi32>
    %shift_right_logical3A_669 = arith.shrui %xor3A_662, %shift_right_logical3A_668 : vector<80x16xi32>
    %or3A_670 = arith.ori %shift_left3A_666, %shift_right_logical3A_669 : vector<80x16xi32>
    %xor3A_671 = arith.xori %add3A_663, %or3A_670 : vector<80x16xi32>
    %add3A_672 = arith.constant 0 : i32
    %add3A_673 = vector.broadcast %add3A_672 : i32 to vector<80x16xi32>
    %add3A_674 = arith.addi %add3A_663, %add3A_673 : vector<80x16xi32>
    %add3A_675 = arith.constant 1 : i32
    %add3A_676 = vector.broadcast %add3A_675 : i32 to vector<80x16xi32>
    %add3A_677 = arith.addi %xor3A_671, %add3A_676 : vector<80x16xi32>
    %add3A_678 = arith.constant 3 : i32
    %add3A_679 = vector.broadcast %add3A_678 : i32 to vector<80x16xi32>
    %add3A_680 = arith.addi %add3A_677, %add3A_679 : vector<80x16xi32>
    %add3A_681 = arith.addi %add3A_674, %add3A_680 : vector<80x16xi32>
    %shift_left3A_682 = arith.constant 17 : i32
    %shift_left3A_683 = vector.broadcast %shift_left3A_682 : i32 to vector<80x16xi32>
    %shift_left3A_684 = arith.shli %add3A_680, %shift_left3A_683 : vector<80x16xi32>
    %shift_right_logical3A_685 = arith.constant 15 : i32
    %shift_right_logical3A_686 = vector.broadcast %shift_right_logical3A_685 : i32 to vector<80x16xi32>
    %shift_right_logical3A_687 = arith.shrui %add3A_680, %shift_right_logical3A_686 : vector<80x16xi32>
    %or3A_688 = arith.ori %shift_left3A_684, %shift_right_logical3A_687 : vector<80x16xi32>
    %xor3A_689 = arith.xori %add3A_681, %or3A_688 : vector<80x16xi32>
    %add3A_690 = arith.addi %add3A_681, %xor3A_689 : vector<80x16xi32>
    %shift_left3A_691 = arith.constant 29 : i32
    %shift_left3A_692 = vector.broadcast %shift_left3A_691 : i32 to vector<80x16xi32>
    %shift_left3A_693 = arith.shli %xor3A_689, %shift_left3A_692 : vector<80x16xi32>
    %shift_right_logical3A_694 = arith.constant 3 : i32
    %shift_right_logical3A_695 = vector.broadcast %shift_right_logical3A_694 : i32 to vector<80x16xi32>
    %shift_right_logical3A_696 = arith.shrui %xor3A_689, %shift_right_logical3A_695 : vector<80x16xi32>
    %or3A_697 = arith.ori %shift_left3A_693, %shift_right_logical3A_696 : vector<80x16xi32>
    %xor3A_698 = arith.xori %add3A_690, %or3A_697 : vector<80x16xi32>
    %add3A_699 = arith.addi %add3A_690, %xor3A_698 : vector<80x16xi32>
    %shift_left3A_700 = arith.constant 16 : i32
    %shift_left3A_701 = vector.broadcast %shift_left3A_700 : i32 to vector<80x16xi32>
    %shift_left3A_702 = arith.shli %xor3A_698, %shift_left3A_701 : vector<80x16xi32>
    %shift_right_logical3A_703 = arith.constant 16 : i32
    %shift_right_logical3A_704 = vector.broadcast %shift_right_logical3A_703 : i32 to vector<80x16xi32>
    %shift_right_logical3A_705 = arith.shrui %xor3A_698, %shift_right_logical3A_704 : vector<80x16xi32>
    %or3A_706 = arith.ori %shift_left3A_702, %shift_right_logical3A_705 : vector<80x16xi32>
    %xor3A_707 = arith.xori %add3A_699, %or3A_706 : vector<80x16xi32>
    %add3A_708 = arith.addi %add3A_699, %xor3A_707 : vector<80x16xi32>
    %shift_left3A_709 = arith.constant 24 : i32
    %shift_left3A_710 = vector.broadcast %shift_left3A_709 : i32 to vector<80x16xi32>
    %shift_left3A_711 = arith.shli %xor3A_707, %shift_left3A_710 : vector<80x16xi32>
    %shift_right_logical3A_712 = arith.constant 8 : i32
    %shift_right_logical3A_713 = vector.broadcast %shift_right_logical3A_712 : i32 to vector<80x16xi32>
    %shift_right_logical3A_714 = arith.shrui %xor3A_707, %shift_right_logical3A_713 : vector<80x16xi32>
    %or3A_715 = arith.ori %shift_left3A_711, %shift_right_logical3A_714 : vector<80x16xi32>
    %xor3A_716 = arith.xori %add3A_708, %or3A_715 : vector<80x16xi32>
    %add3A_717 = arith.constant 1 : i32
    %add3A_718 = vector.broadcast %add3A_717 : i32 to vector<80x16xi32>
    %add3A_719 = arith.addi %add3A_708, %add3A_718 : vector<80x16xi32>
    %add3A_720 = arith.constant 466688987 : i32
    %add3A_721 = vector.broadcast %add3A_720 : i32 to vector<80x16xi32>
    %add3A_722 = arith.addi %xor3A_716, %add3A_721 : vector<80x16xi32>
    %add3A_723 = arith.constant 4 : i32
    %add3A_724 = vector.broadcast %add3A_723 : i32 to vector<80x16xi32>
    %add3A_725 = arith.addi %add3A_722, %add3A_724 : vector<80x16xi32>
    %add3A_726 = arith.addi %add3A_719, %add3A_725 : vector<80x16xi32>
    %shift_left3A_727 = arith.constant 13 : i32
    %shift_left3A_728 = vector.broadcast %shift_left3A_727 : i32 to vector<80x16xi32>
    %shift_left3A_729 = arith.shli %add3A_725, %shift_left3A_728 : vector<80x16xi32>
    %shift_right_logical3A_730 = arith.constant 19 : i32
    %shift_right_logical3A_731 = vector.broadcast %shift_right_logical3A_730 : i32 to vector<80x16xi32>
    %shift_right_logical3A_732 = arith.shrui %add3A_725, %shift_right_logical3A_731 : vector<80x16xi32>
    %or3A_733 = arith.ori %shift_left3A_729, %shift_right_logical3A_732 : vector<80x16xi32>
    %xor3A_734 = arith.xori %add3A_726, %or3A_733 : vector<80x16xi32>
    %add3A_735 = arith.addi %add3A_726, %xor3A_734 : vector<80x16xi32>
    %shift_left3A_736 = arith.constant 15 : i32
    %shift_left3A_737 = vector.broadcast %shift_left3A_736 : i32 to vector<80x16xi32>
    %shift_left3A_738 = arith.shli %xor3A_734, %shift_left3A_737 : vector<80x16xi32>
    %shift_right_logical3A_739 = arith.constant 17 : i32
    %shift_right_logical3A_740 = vector.broadcast %shift_right_logical3A_739 : i32 to vector<80x16xi32>
    %shift_right_logical3A_741 = arith.shrui %xor3A_734, %shift_right_logical3A_740 : vector<80x16xi32>
    %or3A_742 = arith.ori %shift_left3A_738, %shift_right_logical3A_741 : vector<80x16xi32>
    %xor3A_743 = arith.xori %add3A_735, %or3A_742 : vector<80x16xi32>
    %add3A_744 = arith.addi %add3A_735, %xor3A_743 : vector<80x16xi32>
    %shift_left3A_745 = arith.constant 26 : i32
    %shift_left3A_746 = vector.broadcast %shift_left3A_745 : i32 to vector<80x16xi32>
    %shift_left3A_747 = arith.shli %xor3A_743, %shift_left3A_746 : vector<80x16xi32>
    %shift_right_logical3A_748 = arith.constant 6 : i32
    %shift_right_logical3A_749 = vector.broadcast %shift_right_logical3A_748 : i32 to vector<80x16xi32>
    %shift_right_logical3A_750 = arith.shrui %xor3A_743, %shift_right_logical3A_749 : vector<80x16xi32>
    %or3A_751 = arith.ori %shift_left3A_747, %shift_right_logical3A_750 : vector<80x16xi32>
    %xor3A_752 = arith.xori %add3A_744, %or3A_751 : vector<80x16xi32>
    %add3A_753 = arith.addi %add3A_744, %xor3A_752 : vector<80x16xi32>
    %shift_left3A_754 = arith.constant 6 : i32
    %shift_left3A_755 = vector.broadcast %shift_left3A_754 : i32 to vector<80x16xi32>
    %shift_left3A_756 = arith.shli %xor3A_752, %shift_left3A_755 : vector<80x16xi32>
    %shift_right_logical3A_757 = arith.constant 26 : i32
    %shift_right_logical3A_758 = vector.broadcast %shift_right_logical3A_757 : i32 to vector<80x16xi32>
    %shift_right_logical3A_759 = arith.shrui %xor3A_752, %shift_right_logical3A_758 : vector<80x16xi32>
    %or3A_760 = arith.ori %shift_left3A_756, %shift_right_logical3A_759 : vector<80x16xi32>
    %xor3A_761 = arith.xori %add3A_753, %or3A_760 : vector<80x16xi32>
    %add3A_762 = arith.constant 466688987 : i32
    %add3A_763 = vector.broadcast %add3A_762 : i32 to vector<80x16xi32>
    %add3A_764 = arith.addi %add3A_753, %add3A_763 : vector<80x16xi32>
    %add3A_765 = arith.constant 0 : i32
    %add3A_766 = vector.broadcast %add3A_765 : i32 to vector<80x16xi32>
    %add3A_767 = arith.addi %xor3A_761, %add3A_766 : vector<80x16xi32>
    %add3A_768 = arith.constant 5 : i32
    %add3A_769 = vector.broadcast %add3A_768 : i32 to vector<80x16xi32>
    %add3A_770 = arith.addi %add3A_767, %add3A_769 : vector<80x16xi32>
    %xor3A_771 = arith.xori %add3A_764, %add3A_770 : vector<80x16xi32>
    %shift_right_logical3A_772 = arith.constant 9 : i32
    %shift_right_logical3A_773 = vector.broadcast %shift_right_logical3A_772 : i32 to vector<80x16xi32>
    %shift_right_logical3A_774 = arith.shrui %xor3A_771, %shift_right_logical3A_773 : vector<80x16xi32>
    %or3A_775 = arith.constant 1065353216 : i32
    %or3A_776 = vector.broadcast %or3A_775 : i32 to vector<80x16xi32>
    %or3A_777 = arith.ori %shift_right_logical3A_774, %or3A_776 : vector<80x16xi32>
    %bitcast_convert_type3A_778 = tpu.bitcast %or3A_777 : vector<80x16xi32> -> vector<80x16xf32>
    %sub3A_779 = arith.constant 1.000000e+00 : f32
    %sub3A_780 = vector.broadcast %sub3A_779 : f32 to vector<80x16xf32>
    %sub3A_781 = arith.subf %bitcast_convert_type3A_778, %sub3A_780 : vector<80x16xf32>
    %mul3A_782 = arith.constant 0.00999999977 : f32
    %mul3A_783 = vector.broadcast %mul3A_782 : f32 to vector<80x16xf32>
    %mul3A_784 = arith.mulf %sub3A_781, %mul3A_783 : vector<80x16xf32>
    %sub3A_785 = arith.subf %concatenate3A_520, %mul3A_784 : vector<80x16xf32>
    %eq3A_786 = vector.broadcast %add3A_2 : vector<80x1xi32> to vector<80x16xi32>
    %eq3A_787 = arith.cmpi eq, %concatenate3A, %eq3A_786 : vector<80x16xi32>
    %convert_element_type3A_788 = arith.extui %eq3A_787 : vector<80x16xi1> to vector<80x16xi32>
    %convert_element_type3A_789 = arith.sitofp %convert_element_type3A_788 : vector<80x16xi32> to vector<80x16xf32>
    %add3A_790 = arith.addf %sub3A_785, %convert_element_type3A_789 : vector<80x16xf32>
    %concatenate3A_791 = tpu.concatenate %concatenate3A, %add3A_2 in 1 : vector<80x16xi32>, vector<80x1xi32> -> vector<80x17xi32>
    %swap3A_792 = arith.constant 0 : index
    %swap3A_793 = arith.constant 0 : index
    %swap3A_794 = vector.load %arg6[%swap3A_792, %swap3A_793] : memref<80x17xi32, #tpu.memory_space<vmem>>, vector<80x17xi32>
    tpu.vector_store %arg6[%swap3A_792, %swap3A_793], %concatenate3A_791 {strides = array<i32>} : memref<80x17xi32, #tpu.memory_space<vmem>>, vector<80x17xi32>,
    %broadcast_in_dim3A_795 = arith.constant 1.000000e+00 : f32
    %broadcast_in_dim3A_796 = vector.broadcast %broadcast_in_dim3A_795 : f32 to vector<80x1xf32>
    %concatenate3A_797 = tpu.concatenate %add3A_790, %broadcast_in_dim3A_796 in 1 : vector<80x16xf32>, vector<80x1xf32> -> vector<80x17xf32>
    %swap3A_798 = arith.constant 0 : index
    %swap3A_799 = arith.constant 0 : index
    %swap3A_800 = vector.load %arg7[%swap3A_798, %swap3A_799] : memref<80x17xf32, #tpu.memory_space<vmem>>, vector<80x17xf32>
    tpu.vector_store %arg7[%swap3A_798, %swap3A_799], %concatenate3A_797 {strides = array<i32>} : memref<80x17xf32, #tpu.memory_space<vmem>>, vector<80x17xf32>,
    return
  }
  func.func @transform_0(%arg0: i32) -> (i32, i32) {
    %c0_i32 = arith.constant 0 : i32
    %c0_i32_0 = arith.constant 0 : i32
    return %arg0, %c0_i32 : i32, i32
  }
  func.func @transform_1(%arg0: i32) -> (i32, i32) {
    %c0_i32 = arith.constant 0 : i32
    %c0_i32_0 = arith.constant 0 : i32
    return %arg0, %c0_i32 : i32, i32
  }
  func.func @transform_2(%arg0: i32) -> (i32, i32) {
    %c0_i32 = arith.constant 0 : i32
    %c0_i32_0 = arith.constant 0 : i32
    %c0_i32_1 = arith.constant 0 : i32
    return %c0_i32, %c0_i32_0 : i32, i32
  }
  func.func @transform_3(%arg0: i32) -> (i32, i32) {
    %c0_i32 = arith.constant 0 : i32
    %c0_i32_0 = arith.constant 0 : i32
    %c0_i32_1 = arith.constant 0 : i32
    return %c0_i32, %c0_i32_0 : i32, i32
  }
  func.func @transform_4(%arg0: i32) -> (i32, i32) {
    %c0_i32 = arith.constant 0 : i32
    %c0_i32_0 = arith.constant 0 : i32
    return %arg0, %c0_i32 : i32, i32
  }
  func.func @transform_5(%arg0: i32) -> (i32, i32) {
    %c0_i32 = arith.constant 0 : i32
    %c0_i32_0 = arith.constant 0 : i32
    return %arg0, %c0_i32 : i32, i32
  }
  func.func @transform_6(%arg0: i32) -> (i32, i32) {
    %c0_i32 = arith.constant 0 : i32
    %c0_i32_0 = arith.constant 0 : i32
    return %arg0, %c0_i32 : i32, i32
  }
}

</mosaic_0001>

<sc_bundles>
// kernel: gather_offload_async_start.1
scs
__scs_entry_jumppad:
0x0: {  	(pc) =	sbr.rel $0x88, $3  }
0x1: {  	(tag) =	ssettag $0x0;
	lr =	simm.s32 $0x1  }
0x2: {  	[smem:$0x3F9A] =	sst lr;
	_ =	strace $0xD0000000  }
0x3: {  	_ = 	snop  }
0x4: {  	_ = 	snop  }
0x5: {  	_ = 	snop  }
0x6: {  	_ = 	snop  }
0x7: {  	_ = 	snop  }
__scs_overlays_trampoline_lowered:
0x8: {  	[smem:$0x3FA9] =	sst s0  }
0x9: {  	[smem:$0x3FAA] =	sst s1  }
0xa: {  	[smem:$0x3FAB] =	sst s2  }
0xb: {  	[smem:$0x3FAC] =	sst s3  }
0xc: {  	[smem:$0x3FAD] =	sst s4  }
0xd: {  	[smem:$0x3FAE] =	sst s5  }
0xe: {  	[smem:$0x3FAF] =	sst s6  }
0xf: {  	[smem:$0x3FB0] =	sst s7  }
0x10: {  	[smem:$0x3FB1] =	sst s8  }
0x11: {  	[smem:$0x3FB2] =	sst s9;
	s0 =	simm.s32 @!p0 $0x0  }
0x12: {  	s1 =	sld [smem:$0x3F98];
	s0 =	simm.s32 @p0 $0x1  }
0x13: {  	[smem:$0x3FB3] =	sst s0;
	s0 =	simm.s32 @!p1 $0x0  }
0x14: {  	s2 =	sld [smem:$0x3F97];
	s0 =	simm.s32 @p1 $0x1  }
0x15: {  	[smem:$0x3FB4] =	sst s0;
	s0 =	simm.s32 @!p2 $0x0  }
0x16: {  	s3 =	sld [smem:$0x3FDB];
	s0 =	simm.s32 @p2 $0x1  }
0x17: {  	s4 =	simm.s32 $0x1BF5;
	[smem:$0x3FB6] =	sst s0  }
0x18: {  	s0 =	sld [smem:$0x3F99];
	_ =	swait.ge [sflag:s4], $0x0  }
0x19: {  	s7 =	sld [smem:$0x3F9A]  }
0x1a: {  	s8 =	sadd.s32 $0xFFFFE003, lr  }
0x1b: {  	s9 =	sadd.s32 $0xFFFFFEF7, lr;
	s5 =	simm.s32 $0xFFFFFFFF;
	p2 =	slt.u32 s8, $0xFFFFF086  }
0x1c: {  	p1 =	slt.u32 s9, $0xF7A;
	s5 =	simm.s32 @!p2 $0x0  }
0x1d: {  	s5 =	simm.s32 @p1 $0x1;
	p0 =	seq.s32 s7, s2  }
0x1e: {  	s7 =	smul.u32 @!p0 $0xF7A, s2;
	p2 =	seq.s32 @!p0 s5, $0x0  }
0x1f: {  	s9 =	smul.u32 $0xF7A, s1;
	s8 =	simm.s32 @!p0 $0x1BF5;
	p2 =	por !p2, p0  }
0x20: {  	[sflag:s8] =	ssyncset.s32 @!p0 $0xFFFFF086;
	s6 =	sadd.s32 @!p0 s3, s7;
	s7 =	simm.s32 @!p0 $0x108  }
0x21: {  	s3 =	sadd.s32 s3, s9;
	s6 =	sadd.s32 @!p0 $0x88, s6;
	s7 =	simm.s32 @p2 $0x1082  }
0x22: {  	[simem:s7], [sflag:s8] =	dma.local @!p0 [hbm:s6], $0xF7A  }
0x23: {  	s9 =	sor.u32 $0xD0000000, s2;
	s6 =	simm.s32 $0x108;
	_ =	swait.ge @!p0 [sflag:s8], $0x0  }
0x24: {  	s3 =	sadd.s32 $0x88, s3;
	s6 =	simm.s32 @!p1 $0x1082;
	[sflag:s4] =	ssyncset.s32 $0xFFFFF086  }
0x25: {  	[simem:s6], [sflag:s4] =	dma.local [hbm:s3], $0xF7A  }
0x26: {  	[smem:$0x3F9A] =	sst s1;
	(tag) =	ssettag s2;
	_ =	strace s9  }
0x27: {  	s1 =	sld [smem:$0x3FAA]  }
0x28: {  	s2 =	sld [smem:$0x3FAB]  }
0x29: {  	s4 =	sld [smem:$0x3FAD]  }
0x2a: {  	p0 =	seq.s32 s5, $0x0;
	s5 =	sld [smem:$0x3FAE]  }
0x2b: {  	s6 =	sld [smem:$0x3FAF]  }
0x2c: {  	s7 =	sld [smem:$0x3FB0]  }
0x2d: {  	s3 =	simm.s32 $0x108;
	s8 =	sld [smem:$0x3FB1]  }
0x2e: {  	s3 =	simm.s32 @!p0 $0x1082;
	s9 =	sld [smem:$0x3FB2]  }
0x2f: {  	lr =	sadd.s32 s0, s3;
	s0 =	sld [smem:$0x3FA9]  }
0x30: {  	s3 =	sld [smem:$0x3FAC]  }
0x31: {  	[smem:$0x3FB5] =	sst s10  }
0x32: {  	s10 =	sld [smem:$0x3FB3];
	_ =	sdelay $0x3  }
0x33: {  	p0 =	seq.s32 s10, $0x1;
	s10 =	sld [smem:$0x3FB5];
	_ =	sdelay $0x3  }
0x34: {  	[smem:$0x3FB5] =	sst s10  }
0x35: {  	s10 =	sld [smem:$0x3FB4];
	_ =	sdelay $0x3  }
0x36: {  	p1 =	seq.s32 s10, $0x1;
	s10 =	sld [smem:$0x3FB5];
	_ =	sdelay $0x3  }
0x37: {  	[smem:$0x3FB5] =	sst s10  }
0x38: {  	s10 =	sld [smem:$0x3FB6]  }
0x39: {  	_ = 	snop;
	(pc) =	sbr.ind lr, $3  }
0x3a: {  	_ = 	snop  }
0x3b: {  	_ = 	snop  }
0x3c: {  	p2 =	seq.s32 s10, $0x1;
	s10 =	sld [smem:$0x3FB5]  }
0x3d: {  	_ =	shalt  }
0x3e: {  	_ =	shalt  }
0x3f: {  	_ =	shalt  }
0x40: {  	_ =	shalt  }
0x41: {  	_ =	shalt  }
0x42: {  	_ =	shalt  }
0x43: {  	_ =	shalt  }
0x44: {  	_ =	shalt  }
0x45: {  	_ =	shalt  }
0x46: {  	_ =	shalt  }
0x47: {  	_ =	shalt  }
0x48: {  	_ =	shalt  }
0x49: {  	_ =	shalt  }
0x4a: {  	_ =	shalt  }
0x4b: {  	_ =	shalt  }
0x4c: {  	_ =	shalt  }
0x4d: {  	_ =	shalt  }
0x4e: {  	_ =	shalt  }
0x4f: {  	_ =	shalt  }
0x50: {  	_ =	shalt  }
0x51: {  	_ =	shalt  }
0x52: {  	_ =	shalt  }
0x53: {  	_ =	shalt  }
0x54: {  	_ =	shalt  }
0x55: {  	_ =	shalt  }
0x56: {  	_ =	shalt  }
0x57: {  	_ =	shalt  }
0x58: {  	_ =	shalt  }
0x59: {  	_ =	shalt  }
0x5a: {  	_ =	shalt  }
0x5b: {  	_ =	shalt  }
0x5c: {  	_ =	shalt  }
0x5d: {  	_ =	shalt  }
0x5e: {  	_ =	shalt  }
0x5f: {  	_ =	shalt  }
0x60: {  	_ =	shalt  }
0x61: {  	_ =	shalt  }
0x62: {  	_ =	shalt  }
0x63: {  	_ =	shalt  }
0x64: {  	_ =	shalt  }
0x65: {  	_ =	shalt  }
0x66: {  	_ =	shalt  }
0x67: {  	_ =	shalt  }
0x68: {  	_ =	shalt  }
0x69: {  	_ =	shalt  }
0x6a: {  	_ =	shalt  }
0x6b: {  	_ =	shalt  }
0x6c: {  	_ =	shalt  }
0x6d: {  	_ =	shalt  }
0x6e: {  	_ =	shalt  }
0x6f: {  	_ =	shalt  }
0x70: {  	_ =	shalt  }
0x71: {  	_ =	shalt  }
0x72: {  	_ =	shalt  }
0x73: {  	_ =	shalt  }
0x74: {  	_ =	shalt  }
0x75: {  	_ =	shalt  }
0x76: {  	_ =	shalt  }
0x77: {  	_ =	shalt  }
0x78: {  	_ =	shalt  }
0x79: {  	_ =	shalt  }
0x7a: {  	_ =	shalt  }
0x7b: {  	_ =	shalt  }
0x7c: {  	_ =	shalt  }
0x7d: {  	_ =	shalt  }
0x7e: {  	_ =	shalt  }
0x7f: {  	_ =	shalt  }
0x80: {  	_ =	shalt  }
0x81: {  	_ =	shalt  }
0x82: {  	_ =	shalt  }
0x83: {  	_ =	shalt  }
0x84: {  	_ =	shalt  }
0x85: {  	_ =	shalt  }
0x86: {  	_ =	shalt  }
0x87: {  	_ =	shalt  }
.Lfunc_end0:
.L_simem_size_0:
called_computation.1_lowered:
.L_overlay_start_0:
0x88: {  	s0 =	sld [smem:$0x3FD9]  }
0x89: {  	s1 =	sld [smem:$0x3FFE];
	_ =	sdelay $0x3  }
0x8a: {  	s0 =	sadd.s32 s1, s0  }
0x8b: {  	[smem:$0x3FC1] =	sst s0  }
0x8c: {  	_ = 	snop  }
0x8d: {  	s0 =	sld [smem:$0x3FD0];
	_ =	sdelay $0x2  }
0x8e: {  	s2 =	simm.s32 $0xB;
	s3 =	simm.s32 $0x10;
	s14 =	sld [smem:$0x3FC7]  }
0x8f: {  	[smem:s3], [sflag:s2] =	dma.local [hbm:s0], $0x1  }
0x90: {  	_ =	swait.eq [sflag:s2], $0x1  }
0x91: {  	[sflag:s2] =	ssyncset.done $0x0  }
0x92: {  	s15 =	sld [smem:$0x10];
	[sflag:s2] =	ssyncadd.s32 $0xFFFFFFFF  }
0x93: {  	s16 =	sld [smem:$0x13];
	(tm) =	ssettm $0x1  }
0x94: {  	s17 =	sld [smem:$0x3FFB];
	_ =	sdelay $0x3  }
0x95: {  	_ =	strace s17  }
0x96: {  	s3 =	sld [smem:$0x3FFC];
	_ =	sdelay $0x3  }
0x97: {  	_ =	strace s3  }
0x98: {  	s3 =	sld [smem:$0x3FFD];
	_ =	sdelay $0x3  }
0x99: {  	_ =	strace s3  }
0x9a: {  	_ =	strace $0x8FFFFFFF  }
0x9b: {  	s18 =	sld [smem:$0x3FDB];
	_ =	sdelay $0x1  }
0x9c: {  	s4 =	simm.s32 $_scs_section_size  }
0x9d: {  	s5 =	simm.s32 $_size__tile_overlayer_lowered;
	s6 =	simm.s32 $_tile_overlayer_lowered  }
0x9e: {  	s21 =	simm.s32 $0x1BFF;
	s20 =	sshll.u32 s6, $0x1;
	s3 =	sadd.s32 s4, s18  }
0x9f: {  	s7 =	simm.s32 $0x0;
	s19 =	sshll.u32 s5, $0x1;
	s5 =	sadd.s32 s20, s3  }
0xa0: {  	[timem:s7], [sflag:s21] =	dma.local [hbm:s5], s19  }
0xa1: {  	_ =	swait.ge [sflag:s21], s19  }
0xa2: {  	s4 =	ssub.s32 $0x0, s19;
	[sflag:s21] =	ssyncset.done $0x0  }
0xa3: {  	[sflag:s21] =	ssyncadd.s32 s4;
	_ =	sdelay $0x1  }
0xa4: {  	s22 =	simm.s32 $0x1B8B  }
0xa5: {  	_ =	swait.ge [sflag:s22], $0x1  }
0xa6: {  	[sflag:s22] =	ssyncset.done $0x0  }
0xa7: {  	s23 =	simm.s32 $0x1B8E;
	[sflag:s22] =	ssyncadd.s32 $0xFFFFFFFF  }
0xa8: {  	s24 =	simm.s32 $execute0_lowered;
	[smem:$0x3FD2] =	sst s23  }
0xa9: {  	s4 =	sshll.u32 s24, $0x1;
	_ =	strace $0x80000049;
	[dreg:$0x1] =	wrdreg $0xFFFFFFFF  }
0xaa: {  	s25 =	simm.s32 $_size_execute0_lowered;
	s3 =	sadd.s32 s3, s4;
	[dreg:$0x0] =	wrdreg $0x0  }
0xab: {  	s4 =	sshll.u32 s25, $0x1;
	[dreg:$0x2] =	wrdreg s3  }
0xac: {  	[dreg:$0x3] =	wrdreg s4  }
0xad: {  	[dreg:$0x4] =	wrdreg $0xC0  }
0xae: {  	_ =	task [dreg:s7], $0x5FFFF  }
0xaf: {  	[dreg:$0x1] =	wrdreg $0xFFFFFFFF  }
0xb0: {  	[dreg:$0x0] =	wrdreg $0x60  }
0xb1: {  	[dreg:$0x2] =	wrdreg s14  }
0xb2: {  	[dreg:$0x3] =	wrdreg s16  }
0xb3: {  	[dreg:$0x4] =	wrdreg s15  }
0xb4: {  	[dreg:$0x5] =	wrdreg $0xA  }
0xb5: {  	_ =	task.clear_ibuf [dreg:s7], $0x6FFFF;
	_ =	strace $0x90000049  }
0xb6: {  	s26 =	simm.s32 $0xA;
	_ =	strace $0x8000004B  }
0xb7: {  	_ =	swait.ge [sflag:s26], $0x1  }
0xb8: {  	[sflag:s26] =	ssyncadd.s32 $0xFFFFFFFF  }
0xb9: {  	_ =	strace $0x9000004B  }
0xba: {  	_ =	sfence  }
0xbb: {  	s28 =	sld [smem:$0x0];
	_ =	sdelay $0x1  }
0xbc: {  	s29 =	srdreg.scid  }
0xbd: {  	s30 =	sshll.u32 s29, $0xD;
	s31 =	sshrl.u32 s29, $0x2  }
0xbe: {  	s1 =	sand.u32 $0x1, s29;
	s2 =	sand.u32 $0x4000, s30;
	s0 =	sadd.s32 s31, s28  }
0xbf: {  	s1 =	sor.u32 s2, s1;
	s0 =	sshll.u32 s0, $0x11  }
0xc0: {  	s0 =	sor.u32 s0, s1  }
0xc1: {  	s0 =	sadd.s32 $0x8F2B, s0  }
0xc2: {  	[sflag:s0] =	ssyncadd.remote.s32 $0x1  }
0xc3: {  	_ =	sfence.sel $0xFFFF  }
0xc4: {  	[dreg:$0x0] =	wrdreg $0xFFFFFFFF;
	(pc) =	sbr.abs _section_cstart, $3  }
0xc5: {  	[dreg:$0x1] =	wrdreg $0xFFFFFFFF  }
0xc6: {  	_ =	task.clear_ibuf [dreg:s7], $0x2FFFF;
	_ =	strace $0x9FFFFFFF  }
0xc7: {  	(tm) =	ssettm $0x7FFFFFFF  }
tec
execute0_lowered:
.L_overlay_start_1:
0x0: {  	(tag) =	ssettag $0x1  }
0x1: {  	s0 =	stileid.u32  }
0x2: {  	s1 =	smin.u32 s0, $0x9  }
0x3: {  	s1 =	sadd.s32 s0, s1  }
0x4: {  	s2 =	simm.s32 $0x320;
	p0 =	slt.u32 s0, $0x9;
	s1 =	smul.u32 $0x190, s1  }
0x5: {  	s2 =	simm.s32 @!p0 $0x190  }
0x6: {  	s2 =	sadd.s32 s2, s1  }
0x7: {  	s3 =	smin.u32 s2, $0x2710  }
0x8: {  	s8 =	ssub.s32 s3, s1  }
0x9: {  	p0 =	sgt.s32 s8, $0x0  }
0xa: {  	s8 =	simm.s32 @!p0 $0x0  }
0xb: {  	s31 =	sand.u32 $0xFFF0, s8  }
0xc: {  	s2 =	sshrl.u32 s31, $0x4  }
0xd: {  	s4 =	rddreg [dreg:$0x0];
	s2 =	smul.u32 $0xA3E, s2  }
0xe: {  	s5 =	rddreg [dreg:$0x1]  }
0xf: {  	s6 =	rddreg [dreg:$0x2];
	s7 =	simm.s32 $0x1;
	s9 =	sshrl.u32 s2, $0x10  }
0x10: {  	s11 =	simm.s32 $0x3;
	s13 =	simm.s32 $0x0;
	s10 =	smul.u32 $0x190, s9  }
.Ltmp0:
0x11: {  	s12 =	simm.s32 $0x0;
	s2 =	rddreg [dreg:$0x3];
	(pc) =	sbr.rel .LBB2_1-.Ltmp0, $4  }
0x12: {  	_ =	strace $0x8000004A;
	p0 =	sne.s32 s8, s10;
	s10 =	simm.s32 $0x1  }
0x13: {  	[sflag:s7] =	ssyncpa.u1 $0x0;
	s8 =	simm.s32 $0x2;
	s10 =	simm.s32 @!p0 $0x0  }
0x14: {  	[sflag:s8] =	ssyncpa.u1 $0x0;
	p0 =	por $0x0, $0x0;
	s9 =	sadd.s32 s9, s10  }
0x15: {  	vm0 =	vmmov $0xff;
	vm1 =	vcmask $0x3F20;
	[sflag:s11] =	ssyncpa.u1 $0x0;
	s11 =	smov.u32 s1;
	s10 =	sadd.s32 $0x1, s9  }
.LBB2_6:
0x16: {  	[hbm:s17] =	stream.linear.scatter [tilespmem:s14], [sflag:$0x3], $0x400, $0x38;
	[tilespmem:$0x19320] =	vst v63  }
.LBB2_7:
0x17: {  	s13 =	sadd.s32 $0x190, s11  }
0x18: {  	s15 =	smov.u32 s1;
	p2 =	slt.s32 s13, s3  }
0x19: {  	s15 =	smov.u32 @p2 s13;
	p2 =	sne.s32 s12, s10  }
.Ltmp1:
0x1a: {  	p1 =	slt.u32 s12, $0x2;
	(pc) =	sbr.rel @!p2 .LBB2_8-.Ltmp1, $4  }
0x1b: {  	s14 =	simm.s32 @!p1 $0x3  }
0x1c: {  	s16 =	sadd.s32 $0x1, s12;
	_ =	swait.ge @!p1 [sflag:s14], $0xC800  }
0x1d: {  	p0 =	por !p0, !p0;
	s13 =	smov.u32 s11;
	[sflag:s14] =	ssyncset.done @!p1 $0x0  }
0x1e: {  	s12 =	smov.u32 s16;
	s11 =	smov.u32 s15;
	[sflag:s14] =	ssyncadd.s32 @!p1 $0xFFFF3800  }
.LBB2_1:
0x1f: {  	p1 =	sge.u32 s12, s9  }
0x20: {  	s14 =	sxor.u32 @!p1 $0xFFFFFFFF, s12  }
0x21: {  	s14 =	sand.u32 @!p1 $0x1, s14  }
0x22: {  	s14 =	smul.u32 @!p1 $0x640, s14  }
0x23: {  	s31 =	sadd.s32 $0xFFFFFFFF, s12;
	s15 =	sshrl.u32 @!p1 s11, $0x3  }
0x24: {  	s16 =	sand.u32 @!p1 $0x7, s11;
	s15 =	sadd.s32 @!p1 s5, s15;
	s14 =	sshrl.u32 @!p1 s14, $0x2  }
0x25: {  	[tilespmem:s14], [sflag:$0x2] =	stream.linear.gather @!p1 [hbm4b:s15+s16], $0x190, $0x38;
	[tilespmem:$0x19320] =	vst v63  }
0x26: {  	p1 =	sge.u32 s31, s9  }
.Ltmp2:
0x27: {  	_ = 	snop;
	(pc) =	sbr.rel @p1 .LBB2_7-.Ltmp2, $1  }
0x28: {  	_ =	sdelay $0x3  }
0x29: {  	s14 =	simm.s32 $0x1  }
0x2a: {  	s14 =	simm.s32 @!p0 $0x0  }
0x2b: {  	s15 =	smul.u32 $0x640, s14  }
0x2c: {  	_ =	swait.ge [sflag:s8], $0x190  }
0x2d: {  	[sflag:s8] =	ssyncset.done $0x0;
	s16 =	sshrl.u32 s15, $0x2  }
0x2e: {  	[sflag:s8] =	ssyncadd.s32 $0xFFFFFE70;
	s15 =	sadd.s32 $0x0, s16  }
0x2f: {  	v0 =	vld.msk [tilespmem:s15+$0x0 ss:$0x1], $0xffff;
	_ =	sdelay $0x4  }
0x30: {  	vm2 =	vgt.s32 v0, $0x0  }
0x31: {  	v0 =	vnsel vm2, $0x0, v0  }
0x32: {  	v0 =	vmin.u32 v0, $0x270F  }
0x33: {  	v0 =	vshll.u32 v0, $0x4  }
0x34: {  	s14 =	smul.u32 $0x32000, s14;
	_ =	sdelay $0x1  }
0x35: {  	s14 =	sshrl.u32 s14, $0x2  }
0x36: {  	s14 =	sor.u32 $0x320, s14  }
0x37: {  	[tilespmem:s14], [sflag:$0x1] =	stream.indirect_vreg.gather [hbm:s4], $0x80, v0, vm0, $0x38;
	[tilespmem:$0x19320] =	vst v63  }
0x38: {  	s17 =	sadd.s32 $0x10, s16;
	s15 =	sadd.s32 $0x400, s14  }
0x39: {  	[tilespmem:s15], [sflag:$0x1] =	stream.indirect_vreg.gather [hbm:s4], $0x80, v0, vm1, $0x38;
	[tilespmem:$0x19320] =	vst v63  }
0x3a: {  	s18 =	simm.s32 $0x80;
	v0 =	vld.msk [tilespmem:s17+$0x0 ss:$0x1], $0xffff;
	s17 =	smov.u32 s14  }
.LBB2_3:
0x3b: {  	p1 =	sne.s32 s18, $0x600;
	_ =	sdelay $0x4  }
0x3c: {  	vm2 =	vgt.s32 v0, $0x0  }
0x3d: {  	v0 =	vnsel vm2, $0x0, v0  }
0x3e: {  	v0 =	vmin.u32 v0, $0x270F  }
0x3f: {  	v0 =	vshll.u32 v0, $0x4;
	_ =	sdelay $0x3  }
.Ltmp3:
0x40: {  	s19 =	sshra.s32 s18, $0x2;
	s17 =	sadd.s32 $0x800, s17;
	(pc) =	sbr.rel @p1 .LBB2_3-.Ltmp3, $4  }
0x41: {  	[tilespmem:s17], [sflag:$0x1] =	stream.indirect_vreg.gather [hbm:s4], $0x80, v0, vm0, $0x38;
	[tilespmem:$0x19320] =	vst v63  }
0x42: {  	s19 =	sadd.s32 s19, s16;
	s20 =	sadd.s32 $0x400, s17  }
0x43: {  	[tilespmem:s20], [sflag:$0x1] =	stream.indirect_vreg.gather [hbm:s4], $0x80, v0, vm1, $0x38;
	[tilespmem:$0x19320] =	vst v63  }
0x44: {  	s18 =	sadd.s32 $0x40, s18;
	v0 =	vld.msk [tilespmem:s19+$0x0 ss:$0x1], $0xffff  }
0x45: {  	_ =	sdelay $0x3  }
0x46: {  	vm2 =	vgt.s32 v0, $0x0  }
0x47: {  	v0 =	vnsel vm2, $0x0, v0  }
0x48: {  	v0 =	vmin.u32 v0, $0x270F  }
0x49: {  	v0 =	vshll.u32 v0, $0x4;
	_ =	sdelay $0x3  }
0x4a: {  	s16 =	sadd.s32 $0x800, s17  }
0x4b: {  	[tilespmem:s16], [sflag:$0x1] =	stream.indirect_vreg.gather [hbm:s4], $0x80, v0, vm0, $0x38;
	[tilespmem:$0x19320] =	vst v63  }
0x4c: {  	s16 =	sadd.s32 $0x400, s16  }
0x4d: {  	[tilespmem:s16], [sflag:$0x1] =	stream.indirect_vreg.gather [hbm:s4], $0x80, v0, vm1, $0x38;
	[tilespmem:$0x19320] =	vst v63  }
0x4e: {  	s13 =	sshll.u32 s13, $0x4;
	_ =	swait.ge [sflag:s7], $0xC800  }
0x4f: {  	s13 =	sadd.s32 s13, s6;
	[sflag:s7] =	ssyncset.done $0x0  }
0x50: {  	s17 =	sadd.s32 $0x0, s13;
	s16 =	simm.s32 $0x80;
	[sflag:s7] =	ssyncadd.s32 $0xFFFF3800  }
.LBB2_5:
0x51: {  	[hbm:s17] =	stream.linear.scatter [tilespmem:s14], [sflag:$0x3], $0x400, $0x38;
	[tilespmem:$0x19320] =	vst v63  }
0x52: {  	s17 =	smov.u32 s16;
	s14 =	smov.u32 s15;
	p1 =	sne.s32 s16, $0x1880  }
.Ltmp4:
0x53: {  	s16 =	sadd.s32 $0x80, s16;
	(pc) =	sbr.rel @p1 .LBB2_5-.Ltmp4, $2  }
0x54: {  	_ =	sdelay $0x2  }
0x55: {  	s15 =	sadd.s32 $0x400, s15;
	s17 =	sadd.s32 s17, s13  }
.Ltmp5:
0x56: {  	_ = 	snop;
	(pc) =	sbr.rel .LBB2_6-.Ltmp5, $1  }
0x57: {  	_ =	sdelay $0x3  }
.LBB2_8:
0x58: {  	_ =	sfence.sel $0x180000  }
0x59: {  	s1 =	simm.s32 $0x2;
	[bflag:$0x0] =	sbarrier.arrive $0xFFFF  }
0x5a: {  	s30 =	simm.s32 $0x3;
	[sflag:s1] =	ssyncpa.u1 $0x1  }
0x5b: {  	s31 =	simm.s32 $0x1;
	[sflag:s30] =	ssyncpa.u1 $0x1  }
0x5c: {  	[sflag:s31] =	ssyncpa.u1 $0x1  }
0x5d: {  	p0 =	sne.s32 s0, $0x0;
	_ =	strace $0x9000004A  }
0x5e: {  	s0 =	sadd.s32 @!p0 $0x100000, s2;
	[bflag:$0x2] =	sbarrier.arrive $0xFFFF  }
0x5f: {  	[sflag:s0] =	ssyncadd.tile.s32 @!p0 $0x1;
	_ =	shalt  }
.Lfunc_end2:
_tile_overlayer_lowered:
.L_overlay_start_2:
0x60: {  	(tag) =	ssettag $0x2  }
0x61: {  	s0 =	rddreg [dreg:$0x0];
	s2 =	stileid.u32  }
0x62: {  	s1 =	rddreg [dreg:$0x1];
	p0 =	sne.s32 s2, $0x0  }
0x63: {  	s3 =	rddreg [dreg:$0x2];
	[bflag:$0x3] =	sbarrier.arrive $0xFFFF;
	s2 =	simm.s32 @!p0 $0x1C01  }
0x64: {  	[timem:s3], [sflag:s2] =	dma.local @!p0 [hbm:s0], s1  }
0x65: {  	s0 =	simm.s32 @!p0 $0x1  }
0x66: {  	_ =	swait.ge @!p0 [sflag:s0], s1  }
0x67: {  	s1 =	ssub.s32 @!p0 $0x0, s1;
	[sflag:s0] =	ssyncset.done @!p0 $0x0  }
0x68: {  	[sflag:s0] =	ssyncadd.s32 @!p0 s1  }
0x69: {  	[bflag:$0x3] =	sbarrier.arrive $0xFFFF  }
0x6a: {  	_ =	shalt  }

// kernel: gather_offload_async_start
scs
__scs_entry_jumppad:
0x0: {  	(pc) =	sbr.rel $0x88, $3  }
0x1: {  	(tag) =	ssettag $0x0;
	lr =	simm.s32 $0x1  }
0x2: {  	[smem:$0x3F9A] =	sst lr;
	_ =	strace $0xD0000000  }
0x3: {  	_ = 	snop  }
0x4: {  	_ = 	snop  }
0x5: {  	_ = 	snop  }
0x6: {  	_ = 	snop  }
0x7: {  	_ = 	snop  }
__scs_overlays_trampoline_lowered:
0x8: {  	[smem:$0x3FA9] =	sst s0  }
0x9: {  	[smem:$0x3FAA] =	sst s1  }
0xa: {  	[smem:$0x3FAB] =	sst s2  }
0xb: {  	[smem:$0x3FAC] =	sst s3  }
0xc: {  	[smem:$0x3FAD] =	sst s4  }
0xd: {  	[smem:$0x3FAE] =	sst s5  }
0xe: {  	[smem:$0x3FAF] =	sst s6  }
0xf: {  	[smem:$0x3FB0] =	sst s7  }
0x10: {  	[smem:$0x3FB1] =	sst s8  }
0x11: {  	[smem:$0x3FB2] =	sst s9;
	s0 =	simm.s32 @!p0 $0x0  }
0x12: {  	s1 =	sld [smem:$0x3F98];
	s0 =	simm.s32 @p0 $0x1  }
0x13: {  	[smem:$0x3FB3] =	sst s0;
	s0 =	simm.s32 @!p1 $0x0  }
0x14: {  	s2 =	sld [smem:$0x3F97];
	s0 =	simm.s32 @p1 $0x1  }
0x15: {  	[smem:$0x3FB4] =	sst s0;
	s0 =	simm.s32 @!p2 $0x0  }
0x16: {  	s3 =	sld [smem:$0x3FDB];
	s0 =	simm.s32 @p2 $0x1  }
0x17: {  	s4 =	simm.s32 $0x1BF5;
	[smem:$0x3FB6] =	sst s0  }
0x18: {  	s0 =	sld [smem:$0x3F99];
	_ =	swait.ge [sflag:s4], $0x0  }
0x19: {  	s7 =	sld [smem:$0x3F9A]  }
0x1a: {  	s8 =	sadd.s32 $0xFFFFE003, lr  }
0x1b: {  	s9 =	sadd.s32 $0xFFFFFEF7, lr;
	s5 =	simm.s32 $0xFFFFFFFF;
	p2 =	slt.u32 s8, $0xFFFFF086  }
0x1c: {  	p1 =	slt.u32 s9, $0xF7A;
	s5 =	simm.s32 @!p2 $0x0  }
0x1d: {  	s5 =	simm.s32 @p1 $0x1;
	p0 =	seq.s32 s7, s2  }
0x1e: {  	s7 =	smul.u32 @!p0 $0xF7A, s2;
	p2 =	seq.s32 @!p0 s5, $0x0  }
0x1f: {  	s9 =	smul.u32 $0xF7A, s1;
	s8 =	simm.s32 @!p0 $0x1BF5;
	p2 =	por !p2, p0  }
0x20: {  	[sflag:s8] =	ssyncset.s32 @!p0 $0xFFFFF086;
	s6 =	sadd.s32 @!p0 s3, s7;
	s7 =	simm.s32 @!p0 $0x108  }
0x21: {  	s3 =	sadd.s32 s3, s9;
	s6 =	sadd.s32 @!p0 $0x88, s6;
	s7 =	simm.s32 @p2 $0x1082  }
0x22: {  	[simem:s7], [sflag:s8] =	dma.local @!p0 [hbm:s6], $0xF7A  }
0x23: {  	s9 =	sor.u32 $0xD0000000, s2;
	s6 =	simm.s32 $0x108;
	_ =	swait.ge @!p0 [sflag:s8], $0x0  }
0x24: {  	s3 =	sadd.s32 $0x88, s3;
	s6 =	simm.s32 @!p1 $0x1082;
	[sflag:s4] =	ssyncset.s32 $0xFFFFF086  }
0x25: {  	[simem:s6], [sflag:s4] =	dma.local [hbm:s3], $0xF7A  }
0x26: {  	[smem:$0x3F9A] =	sst s1;
	(tag) =	ssettag s2;
	_ =	strace s9  }
0x27: {  	s1 =	sld [smem:$0x3FAA]  }
0x28: {  	s2 =	sld [smem:$0x3FAB]  }
0x29: {  	s4 =	sld [smem:$0x3FAD]  }
0x2a: {  	p0 =	seq.s32 s5, $0x0;
	s5 =	sld [smem:$0x3FAE]  }
0x2b: {  	s6 =	sld [smem:$0x3FAF]  }
0x2c: {  	s7 =	sld [smem:$0x3FB0]  }
0x2d: {  	s3 =	simm.s32 $0x108;
	s8 =	sld [smem:$0x3FB1]  }
0x2e: {  	s3 =	simm.s32 @!p0 $0x1082;
	s9 =	sld [smem:$0x3FB2]  }
0x2f: {  	lr =	sadd.s32 s0, s3;
	s0 =	sld [smem:$0x3FA9]  }
0x30: {  	s3 =	sld [smem:$0x3FAC]  }
0x31: {  	[smem:$0x3FB5] =	sst s10  }
0x32: {  	s10 =	sld [smem:$0x3FB3];
	_ =	sdelay $0x3  }
0x33: {  	p0 =	seq.s32 s10, $0x1;
	s10 =	sld [smem:$0x3FB5];
	_ =	sdelay $0x3  }
0x34: {  	[smem:$0x3FB5] =	sst s10  }
0x35: {  	s10 =	sld [smem:$0x3FB4];
	_ =	sdelay $0x3  }
0x36: {  	p1 =	seq.s32 s10, $0x1;
	s10 =	sld [smem:$0x3FB5];
	_ =	sdelay $0x3  }
0x37: {  	[smem:$0x3FB5] =	sst s10  }
0x38: {  	s10 =	sld [smem:$0x3FB6]  }
0x39: {  	_ = 	snop;
	(pc) =	sbr.ind lr, $3  }
0x3a: {  	_ = 	snop  }
0x3b: {  	_ = 	snop  }
0x3c: {  	p2 =	seq.s32 s10, $0x1;
	s10 =	sld [smem:$0x3FB5]  }
0x3d: {  	_ =	shalt  }
0x3e: {  	_ =	shalt  }
0x3f: {  	_ =	shalt  }
0x40: {  	_ =	shalt  }
0x41: {  	_ =	shalt  }
0x42: {  	_ =	shalt  }
0x43: {  	_ =	shalt  }
0x44: {  	_ =	shalt  }
0x45: {  	_ =	shalt  }
0x46: {  	_ =	shalt  }
0x47: {  	_ =	shalt  }
0x48: {  	_ =	shalt  }
0x49: {  	_ =	shalt  }
0x4a: {  	_ =	shalt  }
0x4b: {  	_ =	shalt  }
0x4c: {  	_ =	shalt  }
0x4d: {  	_ =	shalt  }
0x4e: {  	_ =	shalt  }
0x4f: {  	_ =	shalt  }
0x50: {  	_ =	shalt  }
0x51: {  	_ =	shalt  }
0x52: {  	_ =	shalt  }
0x53: {  	_ =	shalt  }
0x54: {  	_ =	shalt  }
0x55: {  	_ =	shalt  }
0x56: {  	_ =	shalt  }
0x57: {  	_ =	shalt  }
0x58: {  	_ =	shalt  }
0x59: {  	_ =	shalt  }
0x5a: {  	_ =	shalt  }
0x5b: {  	_ =	shalt  }
0x5c: {  	_ =	shalt  }
0x5d: {  	_ =	shalt  }
0x5e: {  	_ =	shalt  }
0x5f: {  	_ =	shalt  }
0x60: {  	_ =	shalt  }
0x61: {  	_ =	shalt  }
0x62: {  	_ =	shalt  }
0x63: {  	_ =	shalt  }
0x64: {  	_ =	shalt  }
0x65: {  	_ =	shalt  }
0x66: {  	_ =	shalt  }
0x67: {  	_ =	shalt  }
0x68: {  	_ =	shalt  }
0x69: {  	_ =	shalt  }
0x6a: {  	_ =	shalt  }
0x6b: {  	_ =	shalt  }
0x6c: {  	_ =	shalt  }
0x6d: {  	_ =	shalt  }
0x6e: {  	_ =	shalt  }
0x6f: {  	_ =	shalt  }
0x70: {  	_ =	shalt  }
0x71: {  	_ =	shalt  }
0x72: {  	_ =	shalt  }
0x73: {  	_ =	shalt  }
0x74: {  	_ =	shalt  }
0x75: {  	_ =	shalt  }
0x76: {  	_ =	shalt  }
0x77: {  	_ =	shalt  }
0x78: {  	_ =	shalt  }
0x79: {  	_ =	shalt  }
0x7a: {  	_ =	shalt  }
0x7b: {  	_ =	shalt  }
0x7c: {  	_ =	shalt  }
0x7d: {  	_ =	shalt  }
0x7e: {  	_ =	shalt  }
0x7f: {  	_ =	shalt  }
0x80: {  	_ =	shalt  }
0x81: {  	_ =	shalt  }
0x82: {  	_ =	shalt  }
0x83: {  	_ =	shalt  }
0x84: {  	_ =	shalt  }
0x85: {  	_ =	shalt  }
0x86: {  	_ =	shalt  }
0x87: {  	_ =	shalt  }
.Lfunc_end0:
.L_simem_size_0:
called_computation_lowered:
.L_overlay_start_0:
0x88: {  	s0 =	sld [smem:$0x3FD9]  }
0x89: {  	s1 =	sld [smem:$0x3FFE];
	_ =	sdelay $0x3  }
0x8a: {  	s0 =	sadd.s32 s1, s0  }
0x8b: {  	[smem:$0x3FC1] =	sst s0  }
0x8c: {  	_ = 	snop  }
0x8d: {  	s0 =	sld [smem:$0x3FD0];
	_ =	sdelay $0x2  }
0x8e: {  	s2 =	simm.s32 $0xB;
	s3 =	simm.s32 $0x10;
	s13 =	sld [smem:$0x3FC8]  }
0x8f: {  	[smem:s3], [sflag:s2] =	dma.local [hbm:s0], $0x1  }
0x90: {  	_ =	swait.eq [sflag:s2], $0x1  }
0x91: {  	[sflag:s2] =	ssyncset.done $0x0  }
0x92: {  	[sflag:s2] =	ssyncadd.s32 $0xFFFFFFFF  }
0x93: {  	s14 =	sld [smem:$0x13];
	(tm) =	ssettm $0x1  }
0x94: {  	s15 =	sld [smem:$0x3FFB];
	_ =	sdelay $0x3  }
0x95: {  	_ =	strace s15  }
0x96: {  	s2 =	sld [smem:$0x3FFC];
	_ =	sdelay $0x3  }
0x97: {  	_ =	strace s2  }
0x98: {  	s2 =	sld [smem:$0x3FFD];
	_ =	sdelay $0x3  }
0x99: {  	_ =	strace s2  }
0x9a: {  	_ =	strace $0x8FFFFFFF  }
0x9b: {  	s16 =	sld [smem:$0x3FDB];
	_ =	sdelay $0x1  }
0x9c: {  	s17 =	simm.s32 $_scs_section_size  }
0x9d: {  	s4 =	simm.s32 $_size__tile_overlayer_lowered;
	s5 =	simm.s32 $_tile_overlayer_lowered  }
0x9e: {  	s20 =	simm.s32 $0x1BFF;
	s19 =	sshll.u32 s5, $0x1;
	s2 =	sadd.s32 s17, s16  }
0x9f: {  	s6 =	simm.s32 $0x0;
	s18 =	sshll.u32 s4, $0x1;
	s4 =	sadd.s32 s19, s2  }
0xa0: {  	[timem:s6], [sflag:s20] =	dma.local [hbm:s4], s18  }
0xa1: {  	_ =	swait.ge [sflag:s20], s18  }
0xa2: {  	s3 =	ssub.s32 $0x0, s18;
	[sflag:s20] =	ssyncset.done $0x0  }
0xa3: {  	[sflag:s20] =	ssyncadd.s32 s3;
	_ =	sdelay $0x1  }
0xa4: {  	s21 =	simm.s32 $0x1B8B  }
0xa5: {  	_ =	swait.ge [sflag:s21], $0x1  }
0xa6: {  	[sflag:s21] =	ssyncset.done $0x0  }
0xa7: {  	s23 =	simm.s32 $0x1B8E;
	s22 =	sld [smem:$0x3FFE];
	[sflag:s21] =	ssyncadd.s32 $0xFFFFFFFF  }
0xa8: {  	s24 =	simm.s32 $execute0_lowered;
	[smem:$0x3FD2] =	sst s23  }
0xa9: {  	s4 =	sshll.u32 s24, $0x1;
	_ =	strace $0x80000046;
	[dreg:$0x1] =	wrdreg $0xFFFFFFFF  }
0xaa: {  	s25 =	simm.s32 $_size_execute0_lowered;
	s2 =	sadd.s32 s2, s4;
	[dreg:$0x0] =	wrdreg $0x0  }
0xab: {  	s4 =	sshll.u32 s25, $0x1;
	[dreg:$0x2] =	wrdreg s2  }
0xac: {  	[dreg:$0x3] =	wrdreg s4  }
0xad: {  	[dreg:$0x4] =	wrdreg $0xC0  }
0xae: {  	_ =	task [dreg:s6], $0x5FFFF  }
0xaf: {  	[dreg:$0x1] =	wrdreg $0xFFFFFFFF  }
0xb0: {  	[dreg:$0x0] =	wrdreg $0x60  }
0xb1: {  	[dreg:$0x2] =	wrdreg s13  }
0xb2: {  	[dreg:$0x3] =	wrdreg s14  }
0xb3: {  	[dreg:$0x4] =	wrdreg s22  }
0xb4: {  	[dreg:$0x5] =	wrdreg $0x9  }
0xb5: {  	_ =	task.clear_ibuf [dreg:s6], $0x6FFFF;
	_ =	strace $0x90000046  }
0xb6: {  	s26 =	simm.s32 $0x9;
	_ =	strace $0x80000048  }
0xb7: {  	_ =	swait.ge [sflag:s26], $0x1  }
0xb8: {  	[sflag:s26] =	ssyncadd.s32 $0xFFFFFFFF  }
0xb9: {  	_ =	strace $0x90000048  }
0xba: {  	_ =	sfence  }
0xbb: {  	s28 =	sld [smem:$0x0];
	_ =	sdelay $0x1  }
0xbc: {  	s29 =	srdreg.scid  }
0xbd: {  	s30 =	sshll.u32 s29, $0xD;
	s31 =	sshrl.u32 s29, $0x2  }
0xbe: {  	s1 =	sand.u32 $0x1, s29;
	s2 =	sand.u32 $0x4000, s30;
	s0 =	sadd.s32 s31, s28  }
0xbf: {  	s1 =	sor.u32 s2, s1;
	s0 =	sshll.u32 s0, $0x11  }
0xc0: {  	s0 =	sor.u32 s0, s1  }
0xc1: {  	s0 =	sadd.s32 $0x8F2B, s0  }
0xc2: {  	[sflag:s0] =	ssyncadd.remote.s32 $0x1  }
0xc3: {  	_ =	sfence.sel $0xFFFF  }
0xc4: {  	[dreg:$0x0] =	wrdreg $0xFFFFFFFF;
	(pc) =	sbr.abs _section_cstart, $3  }
0xc5: {  	[dreg:$0x1] =	wrdreg $0xFFFFFFFF  }
0xc6: {  	_ =	task.clear_ibuf [dreg:s6], $0x2FFFF;
	_ =	strace $0x9FFFFFFF  }
0xc7: {  	(tm) =	ssettm $0x7FFFFFFF  }
tec
execute0_lowered:
.L_overlay_start_1:
0x0: {  	(tag) =	ssettag $0x1  }
0x1: {  	s0 =	stileid.u32  }
0x2: {  	s1 =	smin.u32 s0, $0x9  }
0x3: {  	s1 =	sadd.s32 s0, s1  }
0x4: {  	s2 =	simm.s32 $0x320;
	p0 =	slt.u32 s0, $0x9;
	s1 =	smul.u32 $0x190, s1  }
0x5: {  	s2 =	simm.s32 @!p0 $0x190  }
0x6: {  	s2 =	sadd.s32 s2, s1  }
0x7: {  	s3 =	smin.u32 s2, $0x2710  }
0x8: {  	s7 =	ssub.s32 s3, s1  }
0x9: {  	p0 =	sgt.s32 s7, $0x0  }
0xa: {  	s7 =	simm.s32 @!p0 $0x0  }
0xb: {  	s31 =	sand.u32 $0xFFF0, s7  }
0xc: {  	s4 =	rddreg [dreg:$0x0];
	s2 =	sshrl.u32 s31, $0x4  }
0xd: {  	s5 =	rddreg [dreg:$0x1];
	s2 =	smul.u32 $0xA3E, s2  }
0xe: {  	s9 =	rddreg [dreg:$0x2]  }
0xf: {  	s6 =	simm.s32 $0x1;
	s11 =	simm.s32 $0x3;
	s8 =	sshrl.u32 s2, $0x10  }
0x10: {  	s13 =	simm.s32 $0x0;
	s12 =	simm.s32 $0x0;
	s10 =	smul.u32 $0x190, s8  }
.Ltmp0:
0x11: {  	s9 =	sadd.s32 $0x1800, s9;
	s2 =	rddreg [dreg:$0x3];
	(pc) =	sbr.rel .LBB2_1-.Ltmp0, $4  }
0x12: {  	_ =	strace $0x80000047;
	p0 =	sne.s32 s7, s10;
	s10 =	simm.s32 $0x1  }
0x13: {  	[sflag:s6] =	ssyncpa.u1 $0x0;
	s7 =	simm.s32 $0x2;
	s10 =	simm.s32 @!p0 $0x0  }
0x14: {  	[sflag:s7] =	ssyncpa.u1 $0x0;
	p0 =	por $0x0, $0x0;
	s8 =	sadd.s32 s8, s10  }
0x15: {  	vm0 =	vmmov $0xff;
	vm1 =	vcmask $0x3F20;
	[sflag:s11] =	ssyncpa.u1 $0x0;
	s11 =	smov.u32 s1;
	s10 =	sadd.s32 $0x1, s8  }
.LBB2_6:
0x16: {  	[hbm:s17] =	stream.linear.scatter [tilespmem:s14], [sflag:$0x3], $0x400, $0x38;
	[tilespmem:$0x19320] =	vst v63  }
.LBB2_7:
0x17: {  	s13 =	sadd.s32 $0x190, s11  }
0x18: {  	s15 =	smov.u32 s1;
	p2 =	slt.s32 s13, s3  }
0x19: {  	s15 =	smov.u32 @p2 s13;
	p2 =	sne.s32 s12, s10  }
.Ltmp1:
0x1a: {  	p1 =	slt.u32 s12, $0x2;
	(pc) =	sbr.rel @!p2 .LBB2_8-.Ltmp1, $4  }
0x1b: {  	s14 =	simm.s32 @!p1 $0x3  }
0x1c: {  	s16 =	sadd.s32 $0x1, s12;
	_ =	swait.ge @!p1 [sflag:s14], $0xC800  }
0x1d: {  	p0 =	por !p0, !p0;
	s13 =	smov.u32 s11;
	[sflag:s14] =	ssyncset.done @!p1 $0x0  }
0x1e: {  	s12 =	smov.u32 s16;
	s11 =	smov.u32 s15;
	[sflag:s14] =	ssyncadd.s32 @!p1 $0xFFFF3800  }
.LBB2_1:
0x1f: {  	p1 =	sge.u32 s12, s8  }
0x20: {  	s14 =	sxor.u32 @!p1 $0xFFFFFFFF, s12  }
0x21: {  	s14 =	sand.u32 @!p1 $0x1, s14  }
0x22: {  	s14 =	smul.u32 @!p1 $0x640, s14  }
0x23: {  	s31 =	sadd.s32 $0xFFFFFFFF, s12;
	s15 =	sshrl.u32 @!p1 s11, $0x3  }
0x24: {  	s16 =	sand.u32 @!p1 $0x7, s11;
	s15 =	sadd.s32 @!p1 s5, s15;
	s14 =	sshrl.u32 @!p1 s14, $0x2  }
0x25: {  	[tilespmem:s14], [sflag:$0x2] =	stream.linear.gather @!p1 [hbm4b:s15+s16], $0x190, $0x38;
	[tilespmem:$0x19320] =	vst v63  }
0x26: {  	p1 =	sge.u32 s31, s8  }
.Ltmp2:
0x27: {  	_ = 	snop;
	(pc) =	sbr.rel @p1 .LBB2_7-.Ltmp2, $1  }
0x28: {  	_ =	sdelay $0x3  }
0x29: {  	s14 =	simm.s32 $0x1  }
0x2a: {  	s14 =	simm.s32 @!p0 $0x0  }
0x2b: {  	s15 =	smul.u32 $0x640, s14  }
0x2c: {  	_ =	swait.ge [sflag:s7], $0x190  }
0x2d: {  	[sflag:s7] =	ssyncset.done $0x0;
	s16 =	sshrl.u32 s15, $0x2  }
0x2e: {  	[sflag:s7] =	ssyncadd.s32 $0xFFFFFE70;
	s15 =	sadd.s32 $0x0, s16  }
0x2f: {  	v0 =	vld.msk [tilespmem:s15+$0x0 ss:$0x1], $0xffff;
	_ =	sdelay $0x4  }
0x30: {  	vm2 =	vgt.s32 v0, $0x0  }
0x31: {  	v0 =	vnsel vm2, $0x0, v0  }
0x32: {  	v0 =	vmin.u32 v0, $0x270F  }
0x33: {  	v0 =	vshll.u32 v0, $0x4  }
0x34: {  	s14 =	smul.u32 $0x32000, s14;
	_ =	sdelay $0x1  }
0x35: {  	s14 =	sshrl.u32 s14, $0x2  }
0x36: {  	s14 =	sor.u32 $0x320, s14  }
0x37: {  	[tilespmem:s14], [sflag:$0x1] =	stream.indirect_vreg.gather [hbm:s4], $0x80, v0, vm0, $0x38;
	[tilespmem:$0x19320] =	vst v63  }
0x38: {  	s17 =	sadd.s32 $0x10, s16;
	s15 =	sadd.s32 $0x400, s14  }
0x39: {  	[tilespmem:s15], [sflag:$0x1] =	stream.indirect_vreg.gather [hbm:s4], $0x80, v0, vm1, $0x38;
	[tilespmem:$0x19320] =	vst v63  }
0x3a: {  	s18 =	simm.s32 $0x80;
	v0 =	vld.msk [tilespmem:s17+$0x0 ss:$0x1], $0xffff;
	s17 =	smov.u32 s14  }
.LBB2_3:
0x3b: {  	p1 =	sne.s32 s18, $0x600;
	_ =	sdelay $0x4  }
0x3c: {  	vm2 =	vgt.s32 v0, $0x0  }
0x3d: {  	v0 =	vnsel vm2, $0x0, v0  }
0x3e: {  	v0 =	vmin.u32 v0, $0x270F  }
0x3f: {  	v0 =	vshll.u32 v0, $0x4;
	_ =	sdelay $0x3  }
.Ltmp3:
0x40: {  	s19 =	sshra.s32 s18, $0x2;
	s17 =	sadd.s32 $0x800, s17;
	(pc) =	sbr.rel @p1 .LBB2_3-.Ltmp3, $4  }
0x41: {  	[tilespmem:s17], [sflag:$0x1] =	stream.indirect_vreg.gather [hbm:s4], $0x80, v0, vm0, $0x38;
	[tilespmem:$0x19320] =	vst v63  }
0x42: {  	s19 =	sadd.s32 s19, s16;
	s20 =	sadd.s32 $0x400, s17  }
0x43: {  	[tilespmem:s20], [sflag:$0x1] =	stream.indirect_vreg.gather [hbm:s4], $0x80, v0, vm1, $0x38;
	[tilespmem:$0x19320] =	vst v63  }
0x44: {  	s18 =	sadd.s32 $0x40, s18;
	v0 =	vld.msk [tilespmem:s19+$0x0 ss:$0x1], $0xffff  }
0x45: {  	_ =	sdelay $0x3  }
0x46: {  	vm2 =	vgt.s32 v0, $0x0  }
0x47: {  	v0 =	vnsel vm2, $0x0, v0  }
0x48: {  	v0 =	vmin.u32 v0, $0x270F  }
0x49: {  	v0 =	vshll.u32 v0, $0x4;
	_ =	sdelay $0x3  }
0x4a: {  	s16 =	sadd.s32 $0x800, s17  }
0x4b: {  	[tilespmem:s16], [sflag:$0x1] =	stream.indirect_vreg.gather [hbm:s4], $0x80, v0, vm0, $0x38;
	[tilespmem:$0x19320] =	vst v63  }
0x4c: {  	s16 =	sadd.s32 $0x400, s16  }
0x4d: {  	[tilespmem:s16], [sflag:$0x1] =	stream.indirect_vreg.gather [hbm:s4], $0x80, v0, vm1, $0x38;
	[tilespmem:$0x19320] =	vst v63  }
0x4e: {  	s13 =	sshll.u32 s13, $0x4;
	_ =	swait.ge [sflag:s6], $0xC800  }
0x4f: {  	s13 =	sadd.s32 s13, s9;
	[sflag:s6] =	ssyncset.done $0x0  }
0x50: {  	s17 =	sadd.s32 $0x0, s13;
	s16 =	simm.s32 $0x80;
	[sflag:s6] =	ssyncadd.s32 $0xFFFF3800  }
.LBB2_5:
0x51: {  	[hbm:s17] =	stream.linear.scatter [tilespmem:s14], [sflag:$0x3], $0x400, $0x38;
	[tilespmem:$0x19320] =	vst v63  }
0x52: {  	s17 =	smov.u32 s16;
	s14 =	smov.u32 s15;
	p1 =	sne.s32 s16, $0x1880  }
.Ltmp4:
0x53: {  	s16 =	sadd.s32 $0x80, s16;
	(pc) =	sbr.rel @p1 .LBB2_5-.Ltmp4, $2  }
0x54: {  	_ =	sdelay $0x2  }
0x55: {  	s15 =	sadd.s32 $0x400, s15;
	s17 =	sadd.s32 s17, s13  }
.Ltmp5:
0x56: {  	_ = 	snop;
	(pc) =	sbr.rel .LBB2_6-.Ltmp5, $1  }
0x57: {  	_ =	sdelay $0x3  }
.LBB2_8:
0x58: {  	_ =	sfence.sel $0x180000  }
0x59: {  	s1 =	simm.s32 $0x2;
	[bflag:$0x0] =	sbarrier.arrive $0xFFFF  }
0x5a: {  	s30 =	simm.s32 $0x3;
	[sflag:s1] =	ssyncpa.u1 $0x1  }
0x5b: {  	s31 =	simm.s32 $0x1;
	[sflag:s30] =	ssyncpa.u1 $0x1  }
0x5c: {  	[sflag:s31] =	ssyncpa.u1 $0x1  }
0x5d: {  	p0 =	sne.s32 s0, $0x0;
	_ =	strace $0x90000047  }
0x5e: {  	s0 =	sadd.s32 @!p0 $0x100000, s2;
	[bflag:$0x2] =	sbarrier.arrive $0xFFFF  }
0x5f: {  	[sflag:s0] =	ssyncadd.tile.s32 @!p0 $0x1;
	_ =	shalt  }
.Lfunc_end2:
_tile_overlayer_lowered:
.L_overlay_start_2:
0x60: {  	(tag) =	ssettag $0x2  }
0x61: {  	s0 =	rddreg [dreg:$0x0];
	s2 =	stileid.u32  }
0x62: {  	s1 =	rddreg [dreg:$0x1];
	p0 =	sne.s32 s2, $0x0  }
0x63: {  	s3 =	rddreg [dreg:$0x2];
	[bflag:$0x3] =	sbarrier.arrive $0xFFFF;
	s2 =	simm.s32 @!p0 $0x1C01  }
0x64: {  	[timem:s3], [sflag:s2] =	dma.local @!p0 [hbm:s0], s1  }
0x65: {  	s0 =	simm.s32 @!p0 $0x1  }
0x66: {  	_ =	swait.ge @!p0 [sflag:s0], s1  }
0x67: {  	s1 =	ssub.s32 @!p0 $0x0, s1;
	[sflag:s0] =	ssyncset.done @!p0 $0x0  }
0x68: {  	[sflag:s0] =	ssyncadd.s32 @!p0 s1  }
0x69: {  	[bflag:$0x3] =	sbarrier.arrive $0xFFFF  }
0x6a: {  	_ =	shalt  }

</sc_bundles>
